<compile_context>
chip_gen: v7x
topology: tpu7x:2x2x1
jax: 0.10.2.dev20260603
libtpu: 0.0.44.dev20260713+nightly
codegen_flags: <defaults>
</compile_context>

<pallas_src>
import functools

import jax
import jax.numpy as jnp
from jax import lax
from jax.experimental import pallas as pl
from jax.experimental.pallas import tpu as pltpu
from jax.experimental.pallas import tpu_sc as plsc

N = 10000
D = 128
FH = 64
E = 320000
G = 64
CLS = 10
NCORE = 2
NSUB = 16
NW = NCORE * NSUB
NPAD = 10240
ROWS_PER_SUB = NPAD // NSUB
CHUNK = 125
NCH_D = E // NW // CHUNK
NCH_E = E // NSUB // CHUNK
RB = 2000
NRB = N // RB

_SC_PARAMS = pltpu.CompilerParams(use_tc_tiling_on_sc=False)


def _vmesh():
    return plsc.VectorSubcoreMesh(core_axis_name="c", subcore_axis_name="s")



def _sc_deg(dst3):

    @functools.partial(
        pl.kernel,
        out_type=jax.ShapeDtypeStruct((NCORE, NPAD, 16), jnp.float32),
        mesh=_vmesh(),
        compiler_params=_SC_PARAMS,
        scratch_types=[
            pltpu.VMEM((NCH_D, CHUNK), jnp.int32),
            pltpu.VMEM((CHUNK, 16), jnp.float32),
            pltpu.VMEM((128, 16), jnp.float32),
            pltpu.VMEM_SHARED((NPAD, 16), jnp.float32),
            pltpu.SemaphoreType.DMA,
        ],
    )
    def k(dst_hbm, out_hbm, dstb, ones, zbuf, accum, sem):
        c = lax.axis_index("c")
        s = lax.axis_index("s")
        w = c * NSUB + s
        row0 = s * ROWS_PER_SUB
        pltpu.async_copy(dst_hbm.at[w], dstb, sem)
        @pl.loop(0, CHUNK)
        def _(i):
            ones[i, :] = jnp.ones((16,), jnp.float32)
        @pl.loop(0, 128)
        def _(i):
            zbuf[i, :] = jnp.zeros((16,), jnp.float32)
        for q in range(5):
            pltpu.async_copy(zbuf, accum.at[pl.ds(row0 + q * 128, 128)], sem)
        pltpu.make_async_copy(dst_hbm.at[w], dstb, sem).wait()
        for q in range(5):
            pltpu.make_async_copy(zbuf, accum.at[pl.ds(row0 + q * 128, 128)],
                                  sem).wait()
        plsc.subcore_barrier()
        @pl.loop(0, NCH_D, step=5)
        def _(j):
            for t in range(5):
                pltpu.async_copy(ones, accum.at[dstb.at[j + t]], sem, add=True)
            for t in range(5):
                pltpu.make_async_copy(ones, accum.at[dstb.at[j + t]], sem).wait()
        plsc.subcore_barrier()
        pltpu.sync_copy(accum.at[pl.ds(row0, ROWS_PER_SUB)],
                        out_hbm.at[c].at[pl.ds(row0, ROWS_PER_SUB)])

    return k(dst3)


def _sc_edge(hss, src3, dst3):

    @functools.partial(
        pl.kernel,
        out_type=jax.ShapeDtypeStruct((NCORE, NPAD, FH), jnp.float32),
        mesh=_vmesh(),
        compiler_params=_SC_PARAMS,
        scratch_types=[
            pltpu.VMEM((NCH_E, CHUNK), jnp.int32),
            pltpu.VMEM((NCH_E, CHUNK), jnp.int32),
            pltpu.VMEM((5, CHUNK, FH), jnp.float32),
            pltpu.VMEM((128, FH), jnp.float32),
            pltpu.VMEM_SHARED((NPAD, FH), jnp.float32),
            [pltpu.SemaphoreType.DMA] * 5,
            [pltpu.SemaphoreType.DMA] * 5,
        ],
    )
    def k(hs_hbm, src_hbm, dst_hbm, out_hbm,
          srcb, dstb, rows, zbuf, accum, gsem, ssem):
        c = lax.axis_index("c")
        s = lax.axis_index("s")
        row0 = s * ROWS_PER_SUB
        pltpu.async_copy(src_hbm.at[s], srcb, gsem[0])
        pltpu.async_copy(dst_hbm.at[s], dstb, gsem[1])
        @pl.loop(0, 128)
        def _(i):
            for seg in range(FH // 16):
                zbuf[i, pl.ds(seg * 16, 16)] = jnp.zeros((16,), jnp.float32)
        for q in range(5):
            pltpu.async_copy(zbuf, accum.at[pl.ds(row0 + q * 128, 128)],
                             ssem[q])
        pltpu.make_async_copy(src_hbm.at[s], srcb, gsem[0]).wait()
        pltpu.make_async_copy(dst_hbm.at[s], dstb, gsem[1]).wait()
        for q in range(5):
            pltpu.make_async_copy(zbuf, accum.at[pl.ds(row0 + q * 128, 128)],
                                  ssem[q]).wait()
        plsc.subcore_barrier()
        hsrc = hs_hbm.at[c]

        def g_fire(n, t):
            pltpu.async_copy(hsrc.at[srcb.at[n]], rows.at[t], gsem[t])

        def g_wait(n, t):
            pltpu.make_async_copy(hsrc.at[srcb.at[n]], rows.at[t],
                                  gsem[t]).wait()

        def s_fire(n, t):
            pltpu.async_copy(rows.at[t], accum.at[dstb.at[n]], ssem[t],
                             add=True)

        def s_wait(n, t):
            pltpu.make_async_copy(rows.at[t], accum.at[dstb.at[n]],
                                  ssem[t]).wait()

        for t in range(5):
            g_fire(t, t)

        @pl.loop(0, NCH_E - 5, step=5)
        def _(j):
            for t in range(5):
                g_wait(j + t, t)
                s_fire(j + t, t)
            for t in range(5):
                s_wait(j + t, t)
                g_fire(j + 5 + t, t)

        for t in range(5):
            g_wait(NCH_E - 5 + t, t)
            s_fire(NCH_E - 5 + t, t)
        for t in range(5):
            s_wait(NCH_E - 5 + t, t)

        plsc.subcore_barrier()
        pltpu.sync_copy(accum.at[pl.ds(row0, ROWS_PER_SUB)],
                        out_hbm.at[c].at[pl.ds(row0, ROWS_PER_SUB)])

    return k(hss, src3, dst3)



def _tc_head(degp, x, w):

    def body(dp_ref, x_ref, w_ref, hs_ref):
        deg = dp_ref[0, :, 0:1] + dp_ref[1, :, 0:1] + 1.0
        dinv = lax.rsqrt(deg)
        hs = jnp.dot(x_ref[...], w_ref[...],
                     preferred_element_type=jnp.float32) * dinv
        hs_ref[0] = hs[:, :FH]
        hs_ref[1] = hs[:, FH:]

    return pl.pallas_call(
        body,
        grid=(NRB,),
        in_specs=[pl.BlockSpec((NCORE, RB, 16), lambda i: (0, i, 0)),
                  pl.BlockSpec((RB, D), lambda i: (i, 0)),
                  pl.BlockSpec((D, D), lambda i: (0, 0))],
        out_specs=pl.BlockSpec((NCORE, RB, FH), lambda i: (0, i, 0)),
        out_shape=jax.ShapeDtypeStruct((NCORE, N, FH), jnp.float32),
    )(degp, x, w)


def _tc_layer(p, hss, degp, b, w, batch2, wout, bout):

    def body(p_ref, hs_ref, dp_ref, b_ref, w_ref, bt_ref, wo_ref, bo_ref,
             o_ref, cls_ref, ps_ref, pc_ref):
        i = pl.program_id(0)
        deg = dp_ref[0, :, 0:1] + dp_ref[1, :, 0:1] + 1.0
        dinv = lax.rsqrt(deg)
        agg = jnp.concatenate([p_ref[0] + hs_ref[0], p_ref[1] + hs_ref[1]],
                              axis=1)
        x2 = jnp.maximum(dinv * agg + b_ref[...], 0.0)
        h2 = jnp.dot(x2, w_ref[...],
                     preferred_element_type=jnp.float32) * dinv
        o_ref[0] = h2[:, :FH]
        o_ref[1] = h2[:, FH:]
        gids = lax.broadcasted_iota(jnp.int32, (G, RB), 0)
        mask = (bt_ref[0] == gids).astype(jnp.float32)
        part = lax.dot_general(mask, x2, (((1,), (0,)), ((), ())),
                               preferred_element_type=jnp.float32)

        @pl.when(i == 0)
        def _():
            ps_ref[...] = jnp.zeros((G, D), jnp.float32)
            pc_ref[...] = jnp.zeros((G, 1), jnp.float32)

        ps_ref[...] += part
        pc_ref[...] += jnp.sum(mask, axis=1, keepdims=True)

        @pl.when(i == NRB - 1)
        def _():
            pooled = ps_ref[...] / jnp.maximum(pc_ref[...], 1.0)
            cls_ref[...] = jnp.dot(pooled, wo_ref[...],
                                   preferred_element_type=jnp.float32) + bo_ref[...]

    return pl.pallas_call(
        body,
        grid=(NRB,),
        in_specs=[pl.BlockSpec((NCORE, RB, FH), lambda i: (0, i, 0)),
                  pl.BlockSpec((NCORE, RB, FH), lambda i: (0, i, 0)),
                  pl.BlockSpec((NCORE, RB, 16), lambda i: (0, i, 0)),
                  pl.BlockSpec((1, D), lambda i: (0, 0)),
                  pl.BlockSpec((D, D), lambda i: (0, 0)),
                  pl.BlockSpec((1, 1, RB), lambda i: (i, 0, 0)),
                  pl.BlockSpec((D, CLS), lambda i: (0, 0)),
                  pl.BlockSpec((1, CLS), lambda i: (0, 0))],
        out_specs=[pl.BlockSpec((NCORE, RB, FH), lambda i: (0, i, 0)),
                   pl.BlockSpec((G, CLS), lambda i: (0, 0))],
        out_shape=[jax.ShapeDtypeStruct((NCORE, N, FH), jnp.float32),
                   jax.ShapeDtypeStruct((G, CLS), jnp.float32)],
        scratch_shapes=[pltpu.VMEM((G, D), jnp.float32),
                        pltpu.VMEM((G, 1), jnp.float32)],
    )(p, hss, degp, b, w, batch2, wout, bout)



def kernel(x, edge_index, batch, W1, b1, W2, b2, Wout, bout):
    src = edge_index[0].astype(jnp.int32)
    dst = edge_index[1].astype(jnp.int32)
    srcE = src.reshape(NSUB, NCH_E, CHUNK)
    dstE = dst.reshape(NSUB, NCH_E, CHUNK)
    dstD = dst.reshape(NW, NCH_D, CHUNK)
    batch2 = batch.astype(jnp.int32).reshape(NRB, 1, RB)
    boutr = bout.reshape(1, CLS)

    degp = _sc_deg(dstD)
    hss1 = _tc_head(degp, x, W1)

    ws = jnp.stack([W2, jnp.eye(D, dtype=jnp.float32)])
    bs = jnp.stack([b1.reshape(1, D), b2.reshape(1, D)])

    def step(hs, wb):
        w, b = wb
        p = _sc_edge(hs, srcE, dstE)
        nxt, cls = _tc_layer(p, hs, degp, b, w, batch2, Wout, boutr)
        return nxt, cls

    _, clss = lax.scan(step, hss1, (ws, bs))
    return clss[1]

# --- scband reference (transcript-rebuilt; emitter-appended) ---
"""Pipeline reference for scband-nnmodel-26903675142510 (READ-ONLY COPY).

The authoritative reference and input builder live on the scoring server;
editing this copy changes nothing except your own understanding.
"""

import jax, jax.numpy as jnp
import numpy as np

N_NODES = 10000
N_EDGES = 320000
D_FEAT = 128
HIDDEN = (128, 128)
NUM_CLASSES = 10
NUM_GRAPHS = 64


def setup_inputs(seed: int = 0) -> dict:
    key = jax.random.key(seed)
    ks = jax.random.split(key, 10)
    x = jax.random.normal(ks[0], (N_NODES, D_FEAT), dtype=jnp.float32)
    edge_index = jax.random.randint(ks[1], (2, N_EDGES), 0, N_NODES, dtype=jnp.int64)
    batch = jnp.sort(jax.random.randint(ks[2], (N_NODES,), 0, NUM_GRAPHS, dtype=jnp.int64))
    # GCNConv weights (glorot-style scaling)
    W1 = jax.random.normal(ks[3], (D_FEAT, HIDDEN[0]), dtype=jnp.float32) * (1.0 / np.sqrt(D_FEAT))
    b1 = jnp.zeros((HIDDEN[0],), dtype=jnp.float32)
    W2 = jax.random.normal(ks[4], (HIDDEN[0], HIDDEN[1]), dtype=jnp.float32) * (1.0 / np.sqrt(HIDDEN[0]))
    b2 = jnp.zeros((HIDDEN[1],), dtype=jnp.float32)
    Wout = jax.random.normal(ks[5], (HIDDEN[1], NUM_CLASSES), dtype=jnp.float32) * (1.0 / np.sqrt(HIDDEN[1]))
    bout = jnp.zeros((NUM_CLASSES,), dtype=jnp.float32)
    return {"x": x, "edge_index": edge_index, "batch": batch,
            "W1": W1, "b1": b1, "W2": W2, "b2": b2, "Wout": Wout, "bout": bout}


def _gcn_conv(x, src, dst, W, b, num_nodes):
    # add self-loops
    loop = jnp.arange(num_nodes, dtype=src.dtype)
    src_f = jnp.concatenate([src, loop])
    dst_f = jnp.concatenate([dst, loop])
    # symmetric normalization D^{-1/2} (A+I) D^{-1/2}
    deg = jnp.zeros((num_nodes,), dtype=x.dtype).at[dst_f].add(1.0)
    dinv = jnp.where(deg > 0, 1.0 / jnp.sqrt(deg), 0.0)
    norm = dinv[src_f] * dinv[dst_f]
    h = x @ W
    msg = h[src_f] * norm[:, None]
    out = jnp.zeros((num_nodes, W.shape[1]), dtype=x.dtype).at[dst_f].add(msg)
    return out + b


def reference(x, edge_index, batch, W1, b1, W2, b2, Wout, bout):
    src, dst = edge_index[0], edge_index[1]
    h = jax.nn.relu(_gcn_conv(x, src, dst, W1, b1, N_NODES))
    h = jax.nn.relu(_gcn_conv(h, src, dst, W2, b2, N_NODES))
    # global mean pool over graphs in the batch
    sums = jax.ops.segment_sum(h, batch, num_segments=NUM_GRAPHS)
    counts = jax.ops.segment_sum(jnp.ones((h.shape[0],), dtype=h.dtype), batch, num_segments=NUM_GRAPHS)
    pooled = sums / jnp.maximum(counts, 1.0)[:, None]
    return pooled @ Wout + bout

if __name__ == "__main__":
    import jax
    _d = setup_inputs()
    print(jax.jit(kernel)(*tuple(_d.values())))

</pallas_src>

<mosaic_0001>
#map = affine_map<(d0, d1) -> (0, 0, 0)>
module attributes {stable_mosaic.version = 14 : i64} {
  func.func @k(%arg0: i32, %arg1: i32, %arg2: memref<2x10000x64xf32, #tpu.memory_space<hbm>>, %arg3: memref<16x160x125xi32, #tpu.memory_space<hbm>>, %arg4: memref<16x160x125xi32, #tpu.memory_space<hbm>>, %arg5: memref<2x10240x64xf32, #tpu.memory_space<hbm>>, %arg6: memref<160x125xi32, #tpu.memory_space<vmem>>, %arg7: memref<160x125xi32, #tpu.memory_space<vmem>>, %arg8: memref<5x125x64xf32, #tpu.memory_space<vmem>>, %arg9: memref<128x64xf32, #tpu.memory_space<vmem>>, %arg10: memref<10240x64xf32, #tpu.memory_space<vmem_shared>>, %arg11: memref<!tpu.dma_semaphore, #tpu.memory_space<semaphore_mem>>, %arg12: memref<!tpu.dma_semaphore, #tpu.memory_space<semaphore_mem>>, %arg13: memref<!tpu.dma_semaphore, #tpu.memory_space<semaphore_mem>>, %arg14: memref<!tpu.dma_semaphore, #tpu.memory_space<semaphore_mem>>, %arg15: memref<!tpu.dma_semaphore, #tpu.memory_space<semaphore_mem>>, %arg16: memref<!tpu.dma_semaphore, #tpu.memory_space<semaphore_mem>>, %arg17: memref<!tpu.dma_semaphore, #tpu.memory_space<semaphore_mem>>, %arg18: memref<!tpu.dma_semaphore, #tpu.memory_space<semaphore_mem>>, %arg19: memref<!tpu.dma_semaphore, #tpu.memory_space<semaphore_mem>>, %arg20: memref<!tpu.dma_semaphore, #tpu.memory_space<semaphore_mem>>) attributes {dimension_semantics = [#tpu.dimension_semantics<core_parallel>, #tpu.dimension_semantics<subcore_parallel>], iteration_bounds = array<i64: 2, 16>, scalar_prefetch = 0 : i64, scratch_operands = 15 : i64, tpu.core_type = #tpu.core_type<sc_vector_subcore>, window_params = [{transform_indices = #map}, {transform_indices = #map}, {transform_indices = #map}, {transform_indices = #map}]} {
    %mul3A = arith.constant 640 : i32
    %mul3A_0 = arith.muli %arg1, %mul3A : i32
    %dma_start3A = arith.constant 0 : i32
    %dma_start3A_1 = arith.constant 0 : i32
    %dma_start3A_2 = tpu.memref_slice %arg3[%arg1, %dma_start3A, %dma_start3A_1] : memref<16x160x125xi32, #tpu.memory_space<hbm>> -> memref<1x160x125xi32, #tpu.memory_space<hbm>>
    %dma_start3A_3 = tpu.memref_squeeze %dma_start3A_2 : memref<1x160x125xi32, #tpu.memory_space<hbm>> -> memref<160x125xi32, #tpu.memory_space<hbm>>
    %dma_start3A_4 = arith.constant 0 : i32
    %dma_start3A_5 = arith.constant 0 : i32
    %dma_start3A_6 = tpu.memref_slice %arg3[%arg1, %dma_start3A_4, %dma_start3A_5] : memref<16x160x125xi32, #tpu.memory_space<hbm>> -> memref<1x160x125xi32, #tpu.memory_space<hbm>>
    %dma_start3A_7 = tpu.memref_squeeze %dma_start3A_6 : memref<1x160x125xi32, #tpu.memory_space<hbm>> -> memref<160x125xi32, #tpu.memory_space<hbm>>
    tpu.enqueue_dma source(%dma_start3A_7 : memref<160x125xi32, #tpu.memory_space<hbm>>) target(%arg6 : memref<160x125xi32, #tpu.memory_space<vmem>>) target_semaphore(%arg11 : memref<!tpu.dma_semaphore, #tpu.memory_space<semaphore_mem>>)
    %dma_start3A_8 = arith.constant 0 : i32
    %dma_start3A_9 = arith.constant 0 : i32
    %dma_start3A_10 = tpu.memref_slice %arg4[%arg1, %dma_start3A_8, %dma_start3A_9] : memref<16x160x125xi32, #tpu.memory_space<hbm>> -> memref<1x160x125xi32, #tpu.memory_space<hbm>>
    %dma_start3A_11 = tpu.memref_squeeze %dma_start3A_10 : memref<1x160x125xi32, #tpu.memory_space<hbm>> -> memref<160x125xi32, #tpu.memory_space<hbm>>
    %dma_start3A_12 = arith.constant 0 : i32
    %dma_start3A_13 = arith.constant 0 : i32
    %dma_start3A_14 = tpu.memref_slice %arg4[%arg1, %dma_start3A_12, %dma_start3A_13] : memref<16x160x125xi32, #tpu.memory_space<hbm>> -> memref<1x160x125xi32, #tpu.memory_space<hbm>>
    %dma_start3A_15 = tpu.memref_squeeze %dma_start3A_14 : memref<1x160x125xi32, #tpu.memory_space<hbm>> -> memref<160x125xi32, #tpu.memory_space<hbm>>
    tpu.enqueue_dma source(%dma_start3A_15 : memref<160x125xi32, #tpu.memory_space<hbm>>) target(%arg7 : memref<160x125xi32, #tpu.memory_space<vmem>>) target_semaphore(%arg12 : memref<!tpu.dma_semaphore, #tpu.memory_space<semaphore_mem>>)
    %scan3A = arith.constant 0 : i32
    %scan3A_16 = arith.constant 128 : i32
    %scan3A_17 = arith.addi %scan3A, %scan3A_16 : i32
    %scan3A_18 = arith.constant 1 : i32
    scf.for %scan3A_380 = %scan3A to %scan3A_17 step %scan3A_18  : i32 {
      %mul3A_381 = arith.constant 1 : i32
      %mul3A_382 = arith.muli %scan3A_380, %mul3A_381 : i32
      %add3A_383 = arith.constant 0 : i32
      %add3A_384 = arith.addi %add3A_383, %mul3A_382 : i32
      %broadcast_in_dim3A = arith.constant 0.000000e+00 : f32
      %broadcast_in_dim3A_385 = vector.broadcast %broadcast_in_dim3A : f32 to vector<16xf32>
      %swap3A = arith.index_cast %add3A_384 : i32 to index
      %swap3A_386 = arith.constant 0 : index
      %swap3A_387 = tpu.vector_load %arg9[%swap3A, %swap3A_386] {strides = array<i32>} : memref<128x64xf32, #tpu.memory_space<vmem>>, vector<1x16xf32>,
      %swap3A_388 = vector.shape_cast %swap3A_387 : vector<1x16xf32> to vector<16xf32>
      %swap3A_389 = vector.shape_cast %broadcast_in_dim3A_385 : vector<16xf32> to vector<1x16xf32>
      tpu.vector_store %arg9[%swap3A, %swap3A_386], %swap3A_389 {strides = array<i32>} : memref<128x64xf32, #tpu.memory_space<vmem>>, vector<1x16xf32>,
      %broadcast_in_dim3A_390 = arith.constant 0.000000e+00 : f32
      %broadcast_in_dim3A_391 = vector.broadcast %broadcast_in_dim3A_390 : f32 to vector<16xf32>
      %swap3A_392 = arith.index_cast %add3A_384 : i32 to index
      %swap3A_393 = arith.constant 16 : index
      %swap3A_394 = tpu.vector_load %arg9[%swap3A_392, %swap3A_393] {strides = array<i32>} : memref<128x64xf32, #tpu.memory_space<vmem>>, vector<1x16xf32>,
      %swap3A_395 = vector.shape_cast %swap3A_394 : vector<1x16xf32> to vector<16xf32>
      %swap3A_396 = vector.shape_cast %broadcast_in_dim3A_391 : vector<16xf32> to vector<1x16xf32>
      tpu.vector_store %arg9[%swap3A_392, %swap3A_393], %swap3A_396 {strides = array<i32>} : memref<128x64xf32, #tpu.memory_space<vmem>>, vector<1x16xf32>,
      %broadcast_in_dim3A_397 = arith.constant 0.000000e+00 : f32
      %broadcast_in_dim3A_398 = vector.broadcast %broadcast_in_dim3A_397 : f32 to vector<16xf32>
      %swap3A_399 = arith.index_cast %add3A_384 : i32 to index
      %swap3A_400 = arith.constant 32 : index
      %swap3A_401 = tpu.vector_load %arg9[%swap3A_399, %swap3A_400] {strides = array<i32>} : memref<128x64xf32, #tpu.memory_space<vmem>>, vector<1x16xf32>,
      %swap3A_402 = vector.shape_cast %swap3A_401 : vector<1x16xf32> to vector<16xf32>
      %swap3A_403 = vector.shape_cast %broadcast_in_dim3A_398 : vector<16xf32> to vector<1x16xf32>
      tpu.vector_store %arg9[%swap3A_399, %swap3A_400], %swap3A_403 {strides = array<i32>} : memref<128x64xf32, #tpu.memory_space<vmem>>, vector<1x16xf32>,
      %broadcast_in_dim3A_404 = arith.constant 0.000000e+00 : f32
      %broadcast_in_dim3A_405 = vector.broadcast %broadcast_in_dim3A_404 : f32 to vector<16xf32>
      %swap3A_406 = arith.index_cast %add3A_384 : i32 to index
      %swap3A_407 = arith.constant 48 : index
      %swap3A_408 = tpu.vector_load %arg9[%swap3A_406, %swap3A_407] {strides = array<i32>} : memref<128x64xf32, #tpu.memory_space<vmem>>, vector<1x16xf32>,
      %swap3A_409 = vector.shape_cast %swap3A_408 : vector<1x16xf32> to vector<16xf32>
      %swap3A_410 = vector.shape_cast %broadcast_in_dim3A_405 : vector<16xf32> to vector<1x16xf32>
      tpu.vector_store %arg9[%swap3A_406, %swap3A_407], %swap3A_410 {strides = array<i32>} : memref<128x64xf32, #tpu.memory_space<vmem>>, vector<1x16xf32>,
    }
    %scan3A_19 = arith.constant 128 : i32
    %add3A = arith.constant 0 : i32
    %add3A_20 = arith.addi %mul3A_0, %add3A : i32
    %dma_start3A_21 = arith.constant 0 : i32
    %dma_start3A_22 = tpu.memref_slice %arg10[%add3A_20, %dma_start3A_21] : memref<10240x64xf32, #tpu.memory_space<vmem_shared>> -> memref<128x64xf32, #tpu.memory_space<vmem_shared>>
    %dma_start3A_23 = arith.constant 0 : i32
    %dma_start3A_24 = tpu.memref_slice %arg10[%add3A_20, %dma_start3A_23] : memref<10240x64xf32, #tpu.memory_space<vmem_shared>> -> memref<128x64xf32, #tpu.memory_space<vmem_shared>>
    tpu.enqueue_dma source(%arg9 : memref<128x64xf32, #tpu.memory_space<vmem>>) target(%dma_start3A_24 : memref<128x64xf32, #tpu.memory_space<vmem_shared>>) target_semaphore(%arg16 : memref<!tpu.dma_semaphore, #tpu.memory_space<semaphore_mem>>)
    %add3A_25 = arith.constant 128 : i32
    %add3A_26 = arith.addi %mul3A_0, %add3A_25 : i32
    %dma_start3A_27 = arith.constant 0 : i32
    %dma_start3A_28 = tpu.memref_slice %arg10[%add3A_26, %dma_start3A_27] : memref<10240x64xf32, #tpu.memory_space<vmem_shared>> -> memref<128x64xf32, #tpu.memory_space<vmem_shared>>
    %dma_start3A_29 = arith.constant 0 : i32
    %dma_start3A_30 = tpu.memref_slice %arg10[%add3A_26, %dma_start3A_29] : memref<10240x64xf32, #tpu.memory_space<vmem_shared>> -> memref<128x64xf32, #tpu.memory_space<vmem_shared>>
    tpu.enqueue_dma source(%arg9 : memref<128x64xf32, #tpu.memory_space<vmem>>) target(%dma_start3A_30 : memref<128x64xf32, #tpu.memory_space<vmem_shared>>) target_semaphore(%arg17 : memref<!tpu.dma_semaphore, #tpu.memory_space<semaphore_mem>>)
    %add3A_31 = arith.constant 256 : i32
    %add3A_32 = arith.addi %mul3A_0, %add3A_31 : i32
    %dma_start3A_33 = arith.constant 0 : i32
    %dma_start3A_34 = tpu.memref_slice %arg10[%add3A_32, %dma_start3A_33] : memref<10240x64xf32, #tpu.memory_space<vmem_shared>> -> memref<128x64xf32, #tpu.memory_space<vmem_shared>>
    %dma_start3A_35 = arith.constant 0 : i32
    %dma_start3A_36 = tpu.memref_slice %arg10[%add3A_32, %dma_start3A_35] : memref<10240x64xf32, #tpu.memory_space<vmem_shared>> -> memref<128x64xf32, #tpu.memory_space<vmem_shared>>
    tpu.enqueue_dma source(%arg9 : memref<128x64xf32, #tpu.memory_space<vmem>>) target(%dma_start3A_36 : memref<128x64xf32, #tpu.memory_space<vmem_shared>>) target_semaphore(%arg18 : memref<!tpu.dma_semaphore, #tpu.memory_space<semaphore_mem>>)
    %add3A_37 = arith.constant 384 : i32
    %add3A_38 = arith.addi %mul3A_0, %add3A_37 : i32
    %dma_start3A_39 = arith.constant 0 : i32
    %dma_start3A_40 = tpu.memref_slice %arg10[%add3A_38, %dma_start3A_39] : memref<10240x64xf32, #tpu.memory_space<vmem_shared>> -> memref<128x64xf32, #tpu.memory_space<vmem_shared>>
    %dma_start3A_41 = arith.constant 0 : i32
    %dma_start3A_42 = tpu.memref_slice %arg10[%add3A_38, %dma_start3A_41] : memref<10240x64xf32, #tpu.memory_space<vmem_shared>> -> memref<128x64xf32, #tpu.memory_space<vmem_shared>>
    tpu.enqueue_dma source(%arg9 : memref<128x64xf32, #tpu.memory_space<vmem>>) target(%dma_start3A_42 : memref<128x64xf32, #tpu.memory_space<vmem_shared>>) target_semaphore(%arg19 : memref<!tpu.dma_semaphore, #tpu.memory_space<semaphore_mem>>)
    %add3A_43 = arith.constant 512 : i32
    %add3A_44 = arith.addi %mul3A_0, %add3A_43 : i32
    %dma_start3A_45 = arith.constant 0 : i32
    %dma_start3A_46 = tpu.memref_slice %arg10[%add3A_44, %dma_start3A_45] : memref<10240x64xf32, #tpu.memory_space<vmem_shared>> -> memref<128x64xf32, #tpu.memory_space<vmem_shared>>
    %dma_start3A_47 = arith.constant 0 : i32
    %dma_start3A_48 = tpu.memref_slice %arg10[%add3A_44, %dma_start3A_47] : memref<10240x64xf32, #tpu.memory_space<vmem_shared>> -> memref<128x64xf32, #tpu.memory_space<vmem_shared>>
    tpu.enqueue_dma source(%arg9 : memref<128x64xf32, #tpu.memory_space<vmem>>) target(%dma_start3A_48 : memref<128x64xf32, #tpu.memory_space<vmem_shared>>) target_semaphore(%arg20 : memref<!tpu.dma_semaphore, #tpu.memory_space<semaphore_mem>>)
    %dma_wait3A = arith.constant 0 : i32
    %dma_wait3A_49 = arith.constant 0 : i32
    %dma_wait3A_50 = tpu.memref_slice %arg3[%arg1, %dma_wait3A, %dma_wait3A_49] : memref<16x160x125xi32, #tpu.memory_space<hbm>> -> memref<1x160x125xi32, #tpu.memory_space<hbm>>
    %dma_wait3A_51 = tpu.memref_squeeze %dma_wait3A_50 : memref<1x160x125xi32, #tpu.memory_space<hbm>> -> memref<160x125xi32, #tpu.memory_space<hbm>>
    %dma_wait3A_52 = arith.constant 0 : i32
    %dma_wait3A_53 = arith.constant 0 : i32
    %dma_wait3A_54 = tpu.memref_slice %arg3[%arg1, %dma_wait3A_52, %dma_wait3A_53] : memref<16x160x125xi32, #tpu.memory_space<hbm>> -> memref<1x160x125xi32, #tpu.memory_space<hbm>>
    %dma_wait3A_55 = tpu.memref_squeeze %dma_wait3A_54 : memref<1x160x125xi32, #tpu.memory_space<hbm>> -> memref<160x125xi32, #tpu.memory_space<hbm>>
    tpu.wait_dma2 semaphore(%arg11 : memref<!tpu.dma_semaphore, #tpu.memory_space<semaphore_mem>>) src(%dma_wait3A_55 : memref<160x125xi32, #tpu.memory_space<hbm>>) dst(%arg6 : memref<160x125xi32, #tpu.memory_space<vmem>>)
    %dma_wait3A_56 = arith.constant 0 : i32
    %dma_wait3A_57 = arith.constant 0 : i32
    %dma_wait3A_58 = tpu.memref_slice %arg4[%arg1, %dma_wait3A_56, %dma_wait3A_57] : memref<16x160x125xi32, #tpu.memory_space<hbm>> -> memref<1x160x125xi32, #tpu.memory_space<hbm>>
    %dma_wait3A_59 = tpu.memref_squeeze %dma_wait3A_58 : memref<1x160x125xi32, #tpu.memory_space<hbm>> -> memref<160x125xi32, #tpu.memory_space<hbm>>
    %dma_wait3A_60 = arith.constant 0 : i32
    %dma_wait3A_61 = arith.constant 0 : i32
    %dma_wait3A_62 = tpu.memref_slice %arg4[%arg1, %dma_wait3A_60, %dma_wait3A_61] : memref<16x160x125xi32, #tpu.memory_space<hbm>> -> memref<1x160x125xi32, #tpu.memory_space<hbm>>
    %dma_wait3A_63 = tpu.memref_squeeze %dma_wait3A_62 : memref<1x160x125xi32, #tpu.memory_space<hbm>> -> memref<160x125xi32, #tpu.memory_space<hbm>>
    tpu.wait_dma2 semaphore(%arg12 : memref<!tpu.dma_semaphore, #tpu.memory_space<semaphore_mem>>) src(%dma_wait3A_63 : memref<160x125xi32, #tpu.memory_space<hbm>>) dst(%arg7 : memref<160x125xi32, #tpu.memory_space<vmem>>)
    %add3A_64 = arith.constant 0 : i32
    %add3A_65 = arith.addi %mul3A_0, %add3A_64 : i32
    %dma_wait3A_66 = arith.constant 0 : i32
    %dma_wait3A_67 = tpu.memref_slice %arg10[%add3A_65, %dma_wait3A_66] : memref<10240x64xf32, #tpu.memory_space<vmem_shared>> -> memref<128x64xf32, #tpu.memory_space<vmem_shared>>
    %dma_wait3A_68 = arith.constant 0 : i32
    %dma_wait3A_69 = tpu.memref_slice %arg10[%add3A_65, %dma_wait3A_68] : memref<10240x64xf32, #tpu.memory_space<vmem_shared>> -> memref<128x64xf32, #tpu.memory_space<vmem_shared>>
    tpu.wait_dma2 semaphore(%arg16 : memref<!tpu.dma_semaphore, #tpu.memory_space<semaphore_mem>>) src(%arg9 : memref<128x64xf32, #tpu.memory_space<vmem>>) dst(%dma_wait3A_69 : memref<128x64xf32, #tpu.memory_space<vmem_shared>>)
    %add3A_70 = arith.constant 128 : i32
    %add3A_71 = arith.addi %mul3A_0, %add3A_70 : i32
    %dma_wait3A_72 = arith.constant 0 : i32
    %dma_wait3A_73 = tpu.memref_slice %arg10[%add3A_71, %dma_wait3A_72] : memref<10240x64xf32, #tpu.memory_space<vmem_shared>> -> memref<128x64xf32, #tpu.memory_space<vmem_shared>>
    %dma_wait3A_74 = arith.constant 0 : i32
    %dma_wait3A_75 = tpu.memref_slice %arg10[%add3A_71, %dma_wait3A_74] : memref<10240x64xf32, #tpu.memory_space<vmem_shared>> -> memref<128x64xf32, #tpu.memory_space<vmem_shared>>
    tpu.wait_dma2 semaphore(%arg17 : memref<!tpu.dma_semaphore, #tpu.memory_space<semaphore_mem>>) src(%arg9 : memref<128x64xf32, #tpu.memory_space<vmem>>) dst(%dma_wait3A_75 : memref<128x64xf32, #tpu.memory_space<vmem_shared>>)
    %add3A_76 = arith.constant 256 : i32
    %add3A_77 = arith.addi %mul3A_0, %add3A_76 : i32
    %dma_wait3A_78 = arith.constant 0 : i32
    %dma_wait3A_79 = tpu.memref_slice %arg10[%add3A_77, %dma_wait3A_78] : memref<10240x64xf32, #tpu.memory_space<vmem_shared>> -> memref<128x64xf32, #tpu.memory_space<vmem_shared>>
    %dma_wait3A_80 = arith.constant 0 : i32
    %dma_wait3A_81 = tpu.memref_slice %arg10[%add3A_77, %dma_wait3A_80] : memref<10240x64xf32, #tpu.memory_space<vmem_shared>> -> memref<128x64xf32, #tpu.memory_space<vmem_shared>>
    tpu.wait_dma2 semaphore(%arg18 : memref<!tpu.dma_semaphore, #tpu.memory_space<semaphore_mem>>) src(%arg9 : memref<128x64xf32, #tpu.memory_space<vmem>>) dst(%dma_wait3A_81 : memref<128x64xf32, #tpu.memory_space<vmem_shared>>)
    %add3A_82 = arith.constant 384 : i32
    %add3A_83 = arith.addi %mul3A_0, %add3A_82 : i32
    %dma_wait3A_84 = arith.constant 0 : i32
    %dma_wait3A_85 = tpu.memref_slice %arg10[%add3A_83, %dma_wait3A_84] : memref<10240x64xf32, #tpu.memory_space<vmem_shared>> -> memref<128x64xf32, #tpu.memory_space<vmem_shared>>
    %dma_wait3A_86 = arith.constant 0 : i32
    %dma_wait3A_87 = tpu.memref_slice %arg10[%add3A_83, %dma_wait3A_86] : memref<10240x64xf32, #tpu.memory_space<vmem_shared>> -> memref<128x64xf32, #tpu.memory_space<vmem_shared>>
    tpu.wait_dma2 semaphore(%arg19 : memref<!tpu.dma_semaphore, #tpu.memory_space<semaphore_mem>>) src(%arg9 : memref<128x64xf32, #tpu.memory_space<vmem>>) dst(%dma_wait3A_87 : memref<128x64xf32, #tpu.memory_space<vmem_shared>>)
    %add3A_88 = arith.constant 512 : i32
    %add3A_89 = arith.addi %mul3A_0, %add3A_88 : i32
    %dma_wait3A_90 = arith.constant 0 : i32
    %dma_wait3A_91 = tpu.memref_slice %arg10[%add3A_89, %dma_wait3A_90] : memref<10240x64xf32, #tpu.memory_space<vmem_shared>> -> memref<128x64xf32, #tpu.memory_space<vmem_shared>>
    %dma_wait3A_92 = arith.constant 0 : i32
    %dma_wait3A_93 = tpu.memref_slice %arg10[%add3A_89, %dma_wait3A_92] : memref<10240x64xf32, #tpu.memory_space<vmem_shared>> -> memref<128x64xf32, #tpu.memory_space<vmem_shared>>
    tpu.wait_dma2 semaphore(%arg20 : memref<!tpu.dma_semaphore, #tpu.memory_space<semaphore_mem>>) src(%arg9 : memref<128x64xf32, #tpu.memory_space<vmem>>) dst(%dma_wait3A_93 : memref<128x64xf32, #tpu.memory_space<vmem_shared>>)
    %barrier3A = arith.constant 0 : index
    tpu.barrier barrier_id(%barrier3A)
    %dma_start3A_94 = arith.constant 0 : i32
    %dma_start3A_95 = arith.constant 0 : i32
    %dma_start3A_96 = arith.constant 0 : i32
    %dma_start3A_97 = arith.constant 0 : i32
    %dma_start3A_98 = tpu.memref_slice %arg8[%dma_start3A_95, %dma_start3A_96, %dma_start3A_97] : memref<5x125x64xf32, #tpu.memory_space<vmem>> -> memref<1x125x64xf32, #tpu.memory_space<vmem>>
    %dma_start3A_99 = tpu.memref_squeeze %dma_start3A_98 : memref<1x125x64xf32, #tpu.memory_space<vmem>> -> memref<125x64xf32, #tpu.memory_space<vmem>>
    %dma_start3A_100 = arith.constant 0 : i32
    %dma_start3A_101 = tpu.memref_slice %arg6[%dma_start3A_94, %dma_start3A_100] : memref<160x125xi32, #tpu.memory_space<vmem>> -> memref<1x125xi32, #tpu.memory_space<vmem>>
    %dma_start3A_102 = tpu.memref_squeeze %dma_start3A_101 : memref<1x125xi32, #tpu.memory_space<vmem>> -> memref<125xi32, #tpu.memory_space<vmem>>
    %dma_start3A_103 = arith.constant 0 : i32
    %dma_start3A_104 = arith.constant 0 : i32
    %dma_start3A_105 = tpu.memref_slice %arg2[%arg0, %dma_start3A_103, %dma_start3A_104] : memref<2x10000x64xf32, #tpu.memory_space<hbm>> -> memref<1x10000x64xf32, #tpu.memory_space<hbm>>
    %dma_start3A_106 = tpu.memref_squeeze %dma_start3A_105 : memref<1x10000x64xf32, #tpu.memory_space<hbm>> -> memref<10000x64xf32, #tpu.memory_space<hbm>>
    %dma_start3A_107 = arith.constant 0 : i32
    %dma_start3A_108 = arith.constant 0 : i32
    %dma_start3A_109 = tpu.memref_slice %dma_start3A_106[%dma_start3A_107, %dma_start3A_108] : memref<10000x64xf32, #tpu.memory_space<hbm>> -> memref<10000x64xf32, #tpu.memory_space<hbm>>
    tpu.enqueue_indirect_dma source(%dma_start3A_109 : memref<10000x64xf32, #tpu.memory_space<hbm>>) target(%dma_start3A_99 : memref<125x64xf32, #tpu.memory_space<vmem>>) offsets(%dma_start3A_102 : memref<125xi32, #tpu.memory_space<vmem>>) semaphore(%arg11 : memref<!tpu.dma_semaphore, #tpu.memory_space<semaphore_mem>>)
    %dma_start3A_110 = arith.constant 1 : i32
    %dma_start3A_111 = arith.constant 1 : i32
    %dma_start3A_112 = arith.constant 0 : i32
    %dma_start3A_113 = arith.constant 0 : i32
    %dma_start3A_114 = tpu.memref_slice %arg8[%dma_start3A_111, %dma_start3A_112, %dma_start3A_113] : memref<5x125x64xf32, #tpu.memory_space<vmem>> -> memref<1x125x64xf32, #tpu.memory_space<vmem>>
    %dma_start3A_115 = tpu.memref_squeeze %dma_start3A_114 : memref<1x125x64xf32, #tpu.memory_space<vmem>> -> memref<125x64xf32, #tpu.memory_space<vmem>>
    %dma_start3A_116 = arith.constant 0 : i32
    %dma_start3A_117 = tpu.memref_slice %arg6[%dma_start3A_110, %dma_start3A_116] : memref<160x125xi32, #tpu.memory_space<vmem>> -> memref<1x125xi32, #tpu.memory_space<vmem>>
    %dma_start3A_118 = tpu.memref_squeeze %dma_start3A_117 : memref<1x125xi32, #tpu.memory_space<vmem>> -> memref<125xi32, #tpu.memory_space<vmem>>
    %dma_start3A_119 = arith.constant 0 : i32
    %dma_start3A_120 = arith.constant 0 : i32
    %dma_start3A_121 = tpu.memref_slice %arg2[%arg0, %dma_start3A_119, %dma_start3A_120] : memref<2x10000x64xf32, #tpu.memory_space<hbm>> -> memref<1x10000x64xf32, #tpu.memory_space<hbm>>
    %dma_start3A_122 = tpu.memref_squeeze %dma_start3A_121 : memref<1x10000x64xf32, #tpu.memory_space<hbm>> -> memref<10000x64xf32, #tpu.memory_space<hbm>>
    %dma_start3A_123 = arith.constant 0 : i32
    %dma_start3A_124 = arith.constant 0 : i32
    %dma_start3A_125 = tpu.memref_slice %dma_start3A_122[%dma_start3A_123, %dma_start3A_124] : memref<10000x64xf32, #tpu.memory_space<hbm>> -> memref<10000x64xf32, #tpu.memory_space<hbm>>
    tpu.enqueue_indirect_dma source(%dma_start3A_125 : memref<10000x64xf32, #tpu.memory_space<hbm>>) target(%dma_start3A_115 : memref<125x64xf32, #tpu.memory_space<vmem>>) offsets(%dma_start3A_118 : memref<125xi32, #tpu.memory_space<vmem>>) semaphore(%arg12 : memref<!tpu.dma_semaphore, #tpu.memory_space<semaphore_mem>>)
    %dma_start3A_126 = arith.constant 2 : i32
    %dma_start3A_127 = arith.constant 2 : i32
    %dma_start3A_128 = arith.constant 0 : i32
    %dma_start3A_129 = arith.constant 0 : i32
    %dma_start3A_130 = tpu.memref_slice %arg8[%dma_start3A_127, %dma_start3A_128, %dma_start3A_129] : memref<5x125x64xf32, #tpu.memory_space<vmem>> -> memref<1x125x64xf32, #tpu.memory_space<vmem>>
    %dma_start3A_131 = tpu.memref_squeeze %dma_start3A_130 : memref<1x125x64xf32, #tpu.memory_space<vmem>> -> memref<125x64xf32, #tpu.memory_space<vmem>>
    %dma_start3A_132 = arith.constant 0 : i32
    %dma_start3A_133 = tpu.memref_slice %arg6[%dma_start3A_126, %dma_start3A_132] : memref<160x125xi32, #tpu.memory_space<vmem>> -> memref<1x125xi32, #tpu.memory_space<vmem>>
    %dma_start3A_134 = tpu.memref_squeeze %dma_start3A_133 : memref<1x125xi32, #tpu.memory_space<vmem>> -> memref<125xi32, #tpu.memory_space<vmem>>
    %dma_start3A_135 = arith.constant 0 : i32
    %dma_start3A_136 = arith.constant 0 : i32
    %dma_start3A_137 = tpu.memref_slice %arg2[%arg0, %dma_start3A_135, %dma_start3A_136] : memref<2x10000x64xf32, #tpu.memory_space<hbm>> -> memref<1x10000x64xf32, #tpu.memory_space<hbm>>
    %dma_start3A_138 = tpu.memref_squeeze %dma_start3A_137 : memref<1x10000x64xf32, #tpu.memory_space<hbm>> -> memref<10000x64xf32, #tpu.memory_space<hbm>>
    %dma_start3A_139 = arith.constant 0 : i32
    %dma_start3A_140 = arith.constant 0 : i32
    %dma_start3A_141 = tpu.memref_slice %dma_start3A_138[%dma_start3A_139, %dma_start3A_140] : memref<10000x64xf32, #tpu.memory_space<hbm>> -> memref<10000x64xf32, #tpu.memory_space<hbm>>
    tpu.enqueue_indirect_dma source(%dma_start3A_141 : memref<10000x64xf32, #tpu.memory_space<hbm>>) target(%dma_start3A_131 : memref<125x64xf32, #tpu.memory_space<vmem>>) offsets(%dma_start3A_134 : memref<125xi32, #tpu.memory_space<vmem>>) semaphore(%arg13 : memref<!tpu.dma_semaphore, #tpu.memory_space<semaphore_mem>>)
    %dma_start3A_142 = arith.constant 3 : i32
    %dma_start3A_143 = arith.constant 3 : i32
    %dma_start3A_144 = arith.constant 0 : i32
    %dma_start3A_145 = arith.constant 0 : i32
    %dma_start3A_146 = tpu.memref_slice %arg8[%dma_start3A_143, %dma_start3A_144, %dma_start3A_145] : memref<5x125x64xf32, #tpu.memory_space<vmem>> -> memref<1x125x64xf32, #tpu.memory_space<vmem>>
    %dma_start3A_147 = tpu.memref_squeeze %dma_start3A_146 : memref<1x125x64xf32, #tpu.memory_space<vmem>> -> memref<125x64xf32, #tpu.memory_space<vmem>>
    %dma_start3A_148 = arith.constant 0 : i32
    %dma_start3A_149 = tpu.memref_slice %arg6[%dma_start3A_142, %dma_start3A_148] : memref<160x125xi32, #tpu.memory_space<vmem>> -> memref<1x125xi32, #tpu.memory_space<vmem>>
    %dma_start3A_150 = tpu.memref_squeeze %dma_start3A_149 : memref<1x125xi32, #tpu.memory_space<vmem>> -> memref<125xi32, #tpu.memory_space<vmem>>
    %dma_start3A_151 = arith.constant 0 : i32
    %dma_start3A_152 = arith.constant 0 : i32
    %dma_start3A_153 = tpu.memref_slice %arg2[%arg0, %dma_start3A_151, %dma_start3A_152] : memref<2x10000x64xf32, #tpu.memory_space<hbm>> -> memref<1x10000x64xf32, #tpu.memory_space<hbm>>
    %dma_start3A_154 = tpu.memref_squeeze %dma_start3A_153 : memref<1x10000x64xf32, #tpu.memory_space<hbm>> -> memref<10000x64xf32, #tpu.memory_space<hbm>>
    %dma_start3A_155 = arith.constant 0 : i32
    %dma_start3A_156 = arith.constant 0 : i32
    %dma_start3A_157 = tpu.memref_slice %dma_start3A_154[%dma_start3A_155, %dma_start3A_156] : memref<10000x64xf32, #tpu.memory_space<hbm>> -> memref<10000x64xf32, #tpu.memory_space<hbm>>
    tpu.enqueue_indirect_dma source(%dma_start3A_157 : memref<10000x64xf32, #tpu.memory_space<hbm>>) target(%dma_start3A_147 : memref<125x64xf32, #tpu.memory_space<vmem>>) offsets(%dma_start3A_150 : memref<125xi32, #tpu.memory_space<vmem>>) semaphore(%arg14 : memref<!tpu.dma_semaphore, #tpu.memory_space<semaphore_mem>>)
    %dma_start3A_158 = arith.constant 4 : i32
    %dma_start3A_159 = arith.constant 4 : i32
    %dma_start3A_160 = arith.constant 0 : i32
    %dma_start3A_161 = arith.constant 0 : i32
    %dma_start3A_162 = tpu.memref_slice %arg8[%dma_start3A_159, %dma_start3A_160, %dma_start3A_161] : memref<5x125x64xf32, #tpu.memory_space<vmem>> -> memref<1x125x64xf32, #tpu.memory_space<vmem>>
    %dma_start3A_163 = tpu.memref_squeeze %dma_start3A_162 : memref<1x125x64xf32, #tpu.memory_space<vmem>> -> memref<125x64xf32, #tpu.memory_space<vmem>>
    %dma_start3A_164 = arith.constant 0 : i32
    %dma_start3A_165 = tpu.memref_slice %arg6[%dma_start3A_158, %dma_start3A_164] : memref<160x125xi32, #tpu.memory_space<vmem>> -> memref<1x125xi32, #tpu.memory_space<vmem>>
    %dma_start3A_166 = tpu.memref_squeeze %dma_start3A_165 : memref<1x125xi32, #tpu.memory_space<vmem>> -> memref<125xi32, #tpu.memory_space<vmem>>
    %dma_start3A_167 = arith.constant 0 : i32
    %dma_start3A_168 = arith.constant 0 : i32
    %dma_start3A_169 = tpu.memref_slice %arg2[%arg0, %dma_start3A_167, %dma_start3A_168] : memref<2x10000x64xf32, #tpu.memory_space<hbm>> -> memref<1x10000x64xf32, #tpu.memory_space<hbm>>
    %dma_start3A_170 = tpu.memref_squeeze %dma_start3A_169 : memref<1x10000x64xf32, #tpu.memory_space<hbm>> -> memref<10000x64xf32, #tpu.memory_space<hbm>>
    %dma_start3A_171 = arith.constant 0 : i32
    %dma_start3A_172 = arith.constant 0 : i32
    %dma_start3A_173 = tpu.memref_slice %dma_start3A_170[%dma_start3A_171, %dma_start3A_172] : memref<10000x64xf32, #tpu.memory_space<hbm>> -> memref<10000x64xf32, #tpu.memory_space<hbm>>
    tpu.enqueue_indirect_dma source(%dma_start3A_173 : memref<10000x64xf32, #tpu.memory_space<hbm>>) target(%dma_start3A_163 : memref<125x64xf32, #tpu.memory_space<vmem>>) offsets(%dma_start3A_166 : memref<125xi32, #tpu.memory_space<vmem>>) semaphore(%arg15 : memref<!tpu.dma_semaphore, #tpu.memory_space<semaphore_mem>>)
    %scan3A_174 = arith.constant 0 : i32
    %scan3A_175 = arith.constant 31 : i32
    %scan3A_176 = arith.addi %scan3A_174, %scan3A_175 : i32
    %scan3A_177 = arith.constant 1 : i32
    scf.for %scan3A_380 = %scan3A_174 to %scan3A_176 step %scan3A_177  : i32 {
      %mul3A_381 = arith.constant 5 : i32
      %mul3A_382 = arith.muli %scan3A_380, %mul3A_381 : i32
      %add3A_383 = arith.constant 0 : i32
      %add3A_384 = arith.addi %add3A_383, %mul3A_382 : i32
      %add3A_385 = arith.constant 0 : i32
      %add3A_386 = arith.addi %add3A_384, %add3A_385 : i32
      %dma_wait3A_387 = arith.constant 0 : i32
      %dma_wait3A_388 = arith.constant 0 : i32
      %dma_wait3A_389 = arith.constant 0 : i32
      %dma_wait3A_390 = tpu.memref_slice %arg8[%dma_wait3A_387, %dma_wait3A_388, %dma_wait3A_389] : memref<5x125x64xf32, #tpu.memory_space<vmem>> -> memref<1x125x64xf32, #tpu.memory_space<vmem>>
      %dma_wait3A_391 = tpu.memref_squeeze %dma_wait3A_390 : memref<1x125x64xf32, #tpu.memory_space<vmem>> -> memref<125x64xf32, #tpu.memory_space<vmem>>
      %dma_wait3A_392 = arith.constant 0 : i32
      %dma_wait3A_393 = tpu.memref_slice %arg6[%add3A_386, %dma_wait3A_392] : memref<160x125xi32, #tpu.memory_space<vmem>> -> memref<1x125xi32, #tpu.memory_space<vmem>>
      %dma_wait3A_394 = tpu.memref_squeeze %dma_wait3A_393 : memref<1x125xi32, #tpu.memory_space<vmem>> -> memref<125xi32, #tpu.memory_space<vmem>>
      %dma_wait3A_395 = arith.constant 0 : i32
      %dma_wait3A_396 = arith.constant 0 : i32
      %dma_wait3A_397 = tpu.memref_slice %arg2[%arg0, %dma_wait3A_395, %dma_wait3A_396] : memref<2x10000x64xf32, #tpu.memory_space<hbm>> -> memref<1x10000x64xf32, #tpu.memory_space<hbm>>
      %dma_wait3A_398 = tpu.memref_squeeze %dma_wait3A_397 : memref<1x10000x64xf32, #tpu.memory_space<hbm>> -> memref<10000x64xf32, #tpu.memory_space<hbm>>
      %dma_wait3A_399 = arith.constant 0 : i32
      %dma_wait3A_400 = arith.constant 0 : i32
      %dma_wait3A_401 = tpu.memref_slice %dma_wait3A_398[%dma_wait3A_399, %dma_wait3A_400] : memref<10000x64xf32, #tpu.memory_space<hbm>> -> memref<10000x64xf32, #tpu.memory_space<hbm>>
      tpu.wait_indirect_dma semaphore(%arg11 : memref<!tpu.dma_semaphore, #tpu.memory_space<semaphore_mem>>) src(%dma_wait3A_401 : memref<10000x64xf32, #tpu.memory_space<hbm>>) dst(%dma_wait3A_391 : memref<125x64xf32, #tpu.memory_space<vmem>>)
      %add3A_402 = arith.constant 0 : i32
      %add3A_403 = arith.addi %add3A_384, %add3A_402 : i32
      %dma_start3A_404 = arith.constant 0 : i32
      %dma_start3A_405 = arith.constant 0 : i32
      %dma_start3A_406 = arith.constant 0 : i32
      %dma_start3A_407 = tpu.memref_slice %arg8[%dma_start3A_404, %dma_start3A_405, %dma_start3A_406] : memref<5x125x64xf32, #tpu.memory_space<vmem>> -> memref<1x125x64xf32, #tpu.memory_space<vmem>>
      %dma_start3A_408 = tpu.memref_squeeze %dma_start3A_407 : memref<1x125x64xf32, #tpu.memory_space<vmem>> -> memref<125x64xf32, #tpu.memory_space<vmem>>
      %dma_start3A_409 = arith.constant 0 : i32
      %dma_start3A_410 = tpu.memref_slice %arg7[%add3A_403, %dma_start3A_409] : memref<160x125xi32, #tpu.memory_space<vmem>> -> memref<1x125xi32, #tpu.memory_space<vmem>>
      %dma_start3A_411 = tpu.memref_squeeze %dma_start3A_410 : memref<1x125xi32, #tpu.memory_space<vmem>> -> memref<125xi32, #tpu.memory_space<vmem>>
      %dma_start3A_412 = arith.constant 0 : i32
      %dma_start3A_413 = arith.constant 0 : i32
      %dma_start3A_414 = tpu.memref_slice %arg10[%dma_start3A_412, %dma_start3A_413] : memref<10240x64xf32, #tpu.memory_space<vmem_shared>> -> memref<10240x64xf32, #tpu.memory_space<vmem_shared>>
      tpu.enqueue_indirect_dma source(%dma_start3A_408 : memref<125x64xf32, #tpu.memory_space<vmem>>) target(%dma_start3A_414 : memref<10240x64xf32, #tpu.memory_space<vmem_shared>>) offsets(%dma_start3A_411 : memref<125xi32, #tpu.memory_space<vmem>>) semaphore(%arg16 : memref<!tpu.dma_semaphore, #tpu.memory_space<semaphore_mem>>) {add = true}
      %add3A_415 = arith.constant 1 : i32
      %add3A_416 = arith.addi %add3A_384, %add3A_415 : i32
      %dma_wait3A_417 = arith.constant 1 : i32
      %dma_wait3A_418 = arith.constant 0 : i32
      %dma_wait3A_419 = arith.constant 0 : i32
      %dma_wait3A_420 = tpu.memref_slice %arg8[%dma_wait3A_417, %dma_wait3A_418, %dma_wait3A_419] : memref<5x125x64xf32, #tpu.memory_space<vmem>> -> memref<1x125x64xf32, #tpu.memory_space<vmem>>
      %dma_wait3A_421 = tpu.memref_squeeze %dma_wait3A_420 : memref<1x125x64xf32, #tpu.memory_space<vmem>> -> memref<125x64xf32, #tpu.memory_space<vmem>>
      %dma_wait3A_422 = arith.constant 0 : i32
      %dma_wait3A_423 = tpu.memref_slice %arg6[%add3A_416, %dma_wait3A_422] : memref<160x125xi32, #tpu.memory_space<vmem>> -> memref<1x125xi32, #tpu.memory_space<vmem>>
      %dma_wait3A_424 = tpu.memref_squeeze %dma_wait3A_423 : memref<1x125xi32, #tpu.memory_space<vmem>> -> memref<125xi32, #tpu.memory_space<vmem>>
      %dma_wait3A_425 = arith.constant 0 : i32
      %dma_wait3A_426 = arith.constant 0 : i32
      %dma_wait3A_427 = tpu.memref_slice %arg2[%arg0, %dma_wait3A_425, %dma_wait3A_426] : memref<2x10000x64xf32, #tpu.memory_space<hbm>> -> memref<1x10000x64xf32, #tpu.memory_space<hbm>>
      %dma_wait3A_428 = tpu.memref_squeeze %dma_wait3A_427 : memref<1x10000x64xf32, #tpu.memory_space<hbm>> -> memref<10000x64xf32, #tpu.memory_space<hbm>>
      %dma_wait3A_429 = arith.constant 0 : i32
      %dma_wait3A_430 = arith.constant 0 : i32
      %dma_wait3A_431 = tpu.memref_slice %dma_wait3A_428[%dma_wait3A_429, %dma_wait3A_430] : memref<10000x64xf32, #tpu.memory_space<hbm>> -> memref<10000x64xf32, #tpu.memory_space<hbm>>
      tpu.wait_indirect_dma semaphore(%arg12 : memref<!tpu.dma_semaphore, #tpu.memory_space<semaphore_mem>>) src(%dma_wait3A_431 : memref<10000x64xf32, #tpu.memory_space<hbm>>) dst(%dma_wait3A_421 : memref<125x64xf32, #tpu.memory_space<vmem>>)
      %add3A_432 = arith.constant 1 : i32
      %add3A_433 = arith.addi %add3A_384, %add3A_432 : i32
      %dma_start3A_434 = arith.constant 1 : i32
      %dma_start3A_435 = arith.constant 0 : i32
      %dma_start3A_436 = arith.constant 0 : i32
      %dma_start3A_437 = tpu.memref_slice %arg8[%dma_start3A_434, %dma_start3A_435, %dma_start3A_436] : memref<5x125x64xf32, #tpu.memory_space<vmem>> -> memref<1x125x64xf32, #tpu.memory_space<vmem>>
      %dma_start3A_438 = tpu.memref_squeeze %dma_start3A_437 : memref<1x125x64xf32, #tpu.memory_space<vmem>> -> memref<125x64xf32, #tpu.memory_space<vmem>>
      %dma_start3A_439 = arith.constant 0 : i32
      %dma_start3A_440 = tpu.memref_slice %arg7[%add3A_433, %dma_start3A_439] : memref<160x125xi32, #tpu.memory_space<vmem>> -> memref<1x125xi32, #tpu.memory_space<vmem>>
      %dma_start3A_441 = tpu.memref_squeeze %dma_start3A_440 : memref<1x125xi32, #tpu.memory_space<vmem>> -> memref<125xi32, #tpu.memory_space<vmem>>
      %dma_start3A_442 = arith.constant 0 : i32
      %dma_start3A_443 = arith.constant 0 : i32
      %dma_start3A_444 = tpu.memref_slice %arg10[%dma_start3A_442, %dma_start3A_443] : memref<10240x64xf32, #tpu.memory_space<vmem_shared>> -> memref<10240x64xf32, #tpu.memory_space<vmem_shared>>
      tpu.enqueue_indirect_dma source(%dma_start3A_438 : memref<125x64xf32, #tpu.memory_space<vmem>>) target(%dma_start3A_444 : memref<10240x64xf32, #tpu.memory_space<vmem_shared>>) offsets(%dma_start3A_441 : memref<125xi32, #tpu.memory_space<vmem>>) semaphore(%arg17 : memref<!tpu.dma_semaphore, #tpu.memory_space<semaphore_mem>>) {add = true}
      %add3A_445 = arith.constant 2 : i32
      %add3A_446 = arith.addi %add3A_384, %add3A_445 : i32
      %dma_wait3A_447 = arith.constant 2 : i32
      %dma_wait3A_448 = arith.constant 0 : i32
      %dma_wait3A_449 = arith.constant 0 : i32
      %dma_wait3A_450 = tpu.memref_slice %arg8[%dma_wait3A_447, %dma_wait3A_448, %dma_wait3A_449] : memref<5x125x64xf32, #tpu.memory_space<vmem>> -> memref<1x125x64xf32, #tpu.memory_space<vmem>>
      %dma_wait3A_451 = tpu.memref_squeeze %dma_wait3A_450 : memref<1x125x64xf32, #tpu.memory_space<vmem>> -> memref<125x64xf32, #tpu.memory_space<vmem>>
      %dma_wait3A_452 = arith.constant 0 : i32
      %dma_wait3A_453 = tpu.memref_slice %arg6[%add3A_446, %dma_wait3A_452] : memref<160x125xi32, #tpu.memory_space<vmem>> -> memref<1x125xi32, #tpu.memory_space<vmem>>
      %dma_wait3A_454 = tpu.memref_squeeze %dma_wait3A_453 : memref<1x125xi32, #tpu.memory_space<vmem>> -> memref<125xi32, #tpu.memory_space<vmem>>
      %dma_wait3A_455 = arith.constant 0 : i32
      %dma_wait3A_456 = arith.constant 0 : i32
      %dma_wait3A_457 = tpu.memref_slice %arg2[%arg0, %dma_wait3A_455, %dma_wait3A_456] : memref<2x10000x64xf32, #tpu.memory_space<hbm>> -> memref<1x10000x64xf32, #tpu.memory_space<hbm>>
      %dma_wait3A_458 = tpu.memref_squeeze %dma_wait3A_457 : memref<1x10000x64xf32, #tpu.memory_space<hbm>> -> memref<10000x64xf32, #tpu.memory_space<hbm>>
      %dma_wait3A_459 = arith.constant 0 : i32
      %dma_wait3A_460 = arith.constant 0 : i32
      %dma_wait3A_461 = tpu.memref_slice %dma_wait3A_458[%dma_wait3A_459, %dma_wait3A_460] : memref<10000x64xf32, #tpu.memory_space<hbm>> -> memref<10000x64xf32, #tpu.memory_space<hbm>>
      tpu.wait_indirect_dma semaphore(%arg13 : memref<!tpu.dma_semaphore, #tpu.memory_space<semaphore_mem>>) src(%dma_wait3A_461 : memref<10000x64xf32, #tpu.memory_space<hbm>>) dst(%dma_wait3A_451 : memref<125x64xf32, #tpu.memory_space<vmem>>)
      %add3A_462 = arith.constant 2 : i32
      %add3A_463 = arith.addi %add3A_384, %add3A_462 : i32
      %dma_start3A_464 = arith.constant 2 : i32
      %dma_start3A_465 = arith.constant 0 : i32
      %dma_start3A_466 = arith.constant 0 : i32
      %dma_start3A_467 = tpu.memref_slice %arg8[%dma_start3A_464, %dma_start3A_465, %dma_start3A_466] : memref<5x125x64xf32, #tpu.memory_space<vmem>> -> memref<1x125x64xf32, #tpu.memory_space<vmem>>
      %dma_start3A_468 = tpu.memref_squeeze %dma_start3A_467 : memref<1x125x64xf32, #tpu.memory_space<vmem>> -> memref<125x64xf32, #tpu.memory_space<vmem>>
      %dma_start3A_469 = arith.constant 0 : i32
      %dma_start3A_470 = tpu.memref_slice %arg7[%add3A_463, %dma_start3A_469] : memref<160x125xi32, #tpu.memory_space<vmem>> -> memref<1x125xi32, #tpu.memory_space<vmem>>
      %dma_start3A_471 = tpu.memref_squeeze %dma_start3A_470 : memref<1x125xi32, #tpu.memory_space<vmem>> -> memref<125xi32, #tpu.memory_space<vmem>>
      %dma_start3A_472 = arith.constant 0 : i32
      %dma_start3A_473 = arith.constant 0 : i32
      %dma_start3A_474 = tpu.memref_slice %arg10[%dma_start3A_472, %dma_start3A_473] : memref<10240x64xf32, #tpu.memory_space<vmem_shared>> -> memref<10240x64xf32, #tpu.memory_space<vmem_shared>>
      tpu.enqueue_indirect_dma source(%dma_start3A_468 : memref<125x64xf32, #tpu.memory_space<vmem>>) target(%dma_start3A_474 : memref<10240x64xf32, #tpu.memory_space<vmem_shared>>) offsets(%dma_start3A_471 : memref<125xi32, #tpu.memory_space<vmem>>) semaphore(%arg18 : memref<!tpu.dma_semaphore, #tpu.memory_space<semaphore_mem>>) {add = true}
      %add3A_475 = arith.constant 3 : i32
      %add3A_476 = arith.addi %add3A_384, %add3A_475 : i32
      %dma_wait3A_477 = arith.constant 3 : i32
      %dma_wait3A_478 = arith.constant 0 : i32
      %dma_wait3A_479 = arith.constant 0 : i32
      %dma_wait3A_480 = tpu.memref_slice %arg8[%dma_wait3A_477, %dma_wait3A_478, %dma_wait3A_479] : memref<5x125x64xf32, #tpu.memory_space<vmem>> -> memref<1x125x64xf32, #tpu.memory_space<vmem>>
      %dma_wait3A_481 = tpu.memref_squeeze %dma_wait3A_480 : memref<1x125x64xf32, #tpu.memory_space<vmem>> -> memref<125x64xf32, #tpu.memory_space<vmem>>
      %dma_wait3A_482 = arith.constant 0 : i32
      %dma_wait3A_483 = tpu.memref_slice %arg6[%add3A_476, %dma_wait3A_482] : memref<160x125xi32, #tpu.memory_space<vmem>> -> memref<1x125xi32, #tpu.memory_space<vmem>>
      %dma_wait3A_484 = tpu.memref_squeeze %dma_wait3A_483 : memref<1x125xi32, #tpu.memory_space<vmem>> -> memref<125xi32, #tpu.memory_space<vmem>>
      %dma_wait3A_485 = arith.constant 0 : i32
      %dma_wait3A_486 = arith.constant 0 : i32
      %dma_wait3A_487 = tpu.memref_slice %arg2[%arg0, %dma_wait3A_485, %dma_wait3A_486] : memref<2x10000x64xf32, #tpu.memory_space<hbm>> -> memref<1x10000x64xf32, #tpu.memory_space<hbm>>
      %dma_wait3A_488 = tpu.memref_squeeze %dma_wait3A_487 : memref<1x10000x64xf32, #tpu.memory_space<hbm>> -> memref<10000x64xf32, #tpu.memory_space<hbm>>
      %dma_wait3A_489 = arith.constant 0 : i32
      %dma_wait3A_490 = arith.constant 0 : i32
      %dma_wait3A_491 = tpu.memref_slice %dma_wait3A_488[%dma_wait3A_489, %dma_wait3A_490] : memref<10000x64xf32, #tpu.memory_space<hbm>> -> memref<10000x64xf32, #tpu.memory_space<hbm>>
      tpu.wait_indirect_dma semaphore(%arg14 : memref<!tpu.dma_semaphore, #tpu.memory_space<semaphore_mem>>) src(%dma_wait3A_491 : memref<10000x64xf32, #tpu.memory_space<hbm>>) dst(%dma_wait3A_481 : memref<125x64xf32, #tpu.memory_space<vmem>>)
      %add3A_492 = arith.constant 3 : i32
      %add3A_493 = arith.addi %add3A_384, %add3A_492 : i32
      %dma_start3A_494 = arith.constant 3 : i32
      %dma_start3A_495 = arith.constant 0 : i32
      %dma_start3A_496 = arith.constant 0 : i32
      %dma_start3A_497 = tpu.memref_slice %arg8[%dma_start3A_494, %dma_start3A_495, %dma_start3A_496] : memref<5x125x64xf32, #tpu.memory_space<vmem>> -> memref<1x125x64xf32, #tpu.memory_space<vmem>>
      %dma_start3A_498 = tpu.memref_squeeze %dma_start3A_497 : memref<1x125x64xf32, #tpu.memory_space<vmem>> -> memref<125x64xf32, #tpu.memory_space<vmem>>
      %dma_start3A_499 = arith.constant 0 : i32
      %dma_start3A_500 = tpu.memref_slice %arg7[%add3A_493, %dma_start3A_499] : memref<160x125xi32, #tpu.memory_space<vmem>> -> memref<1x125xi32, #tpu.memory_space<vmem>>
      %dma_start3A_501 = tpu.memref_squeeze %dma_start3A_500 : memref<1x125xi32, #tpu.memory_space<vmem>> -> memref<125xi32, #tpu.memory_space<vmem>>
      %dma_start3A_502 = arith.constant 0 : i32
      %dma_start3A_503 = arith.constant 0 : i32
      %dma_start3A_504 = tpu.memref_slice %arg10[%dma_start3A_502, %dma_start3A_503] : memref<10240x64xf32, #tpu.memory_space<vmem_shared>> -> memref<10240x64xf32, #tpu.memory_space<vmem_shared>>
      tpu.enqueue_indirect_dma source(%dma_start3A_498 : memref<125x64xf32, #tpu.memory_space<vmem>>) target(%dma_start3A_504 : memref<10240x64xf32, #tpu.memory_space<vmem_shared>>) offsets(%dma_start3A_501 : memref<125xi32, #tpu.memory_space<vmem>>) semaphore(%arg19 : memref<!tpu.dma_semaphore, #tpu.memory_space<semaphore_mem>>) {add = true}
      %add3A_505 = arith.constant 4 : i32
      %add3A_506 = arith.addi %add3A_384, %add3A_505 : i32
      %dma_wait3A_507 = arith.constant 4 : i32
      %dma_wait3A_508 = arith.constant 0 : i32
      %dma_wait3A_509 = arith.constant 0 : i32
      %dma_wait3A_510 = tpu.memref_slice %arg8[%dma_wait3A_507, %dma_wait3A_508, %dma_wait3A_509] : memref<5x125x64xf32, #tpu.memory_space<vmem>> -> memref<1x125x64xf32, #tpu.memory_space<vmem>>
      %dma_wait3A_511 = tpu.memref_squeeze %dma_wait3A_510 : memref<1x125x64xf32, #tpu.memory_space<vmem>> -> memref<125x64xf32, #tpu.memory_space<vmem>>
      %dma_wait3A_512 = arith.constant 0 : i32
      %dma_wait3A_513 = tpu.memref_slice %arg6[%add3A_506, %dma_wait3A_512] : memref<160x125xi32, #tpu.memory_space<vmem>> -> memref<1x125xi32, #tpu.memory_space<vmem>>
      %dma_wait3A_514 = tpu.memref_squeeze %dma_wait3A_513 : memref<1x125xi32, #tpu.memory_space<vmem>> -> memref<125xi32, #tpu.memory_space<vmem>>
      %dma_wait3A_515 = arith.constant 0 : i32
      %dma_wait3A_516 = arith.constant 0 : i32
      %dma_wait3A_517 = tpu.memref_slice %arg2[%arg0, %dma_wait3A_515, %dma_wait3A_516] : memref<2x10000x64xf32, #tpu.memory_space<hbm>> -> memref<1x10000x64xf32, #tpu.memory_space<hbm>>
      %dma_wait3A_518 = tpu.memref_squeeze %dma_wait3A_517 : memref<1x10000x64xf32, #tpu.memory_space<hbm>> -> memref<10000x64xf32, #tpu.memory_space<hbm>>
      %dma_wait3A_519 = arith.constant 0 : i32
      %dma_wait3A_520 = arith.constant 0 : i32
      %dma_wait3A_521 = tpu.memref_slice %dma_wait3A_518[%dma_wait3A_519, %dma_wait3A_520] : memref<10000x64xf32, #tpu.memory_space<hbm>> -> memref<10000x64xf32, #tpu.memory_space<hbm>>
      tpu.wait_indirect_dma semaphore(%arg15 : memref<!tpu.dma_semaphore, #tpu.memory_space<semaphore_mem>>) src(%dma_wait3A_521 : memref<10000x64xf32, #tpu.memory_space<hbm>>) dst(%dma_wait3A_511 : memref<125x64xf32, #tpu.memory_space<vmem>>)
      %add3A_522 = arith.constant 4 : i32
      %add3A_523 = arith.addi %add3A_384, %add3A_522 : i32
      %dma_start3A_524 = arith.constant 4 : i32
      %dma_start3A_525 = arith.constant 0 : i32
      %dma_start3A_526 = arith.constant 0 : i32
      %dma_start3A_527 = tpu.memref_slice %arg8[%dma_start3A_524, %dma_start3A_525, %dma_start3A_526] : memref<5x125x64xf32, #tpu.memory_space<vmem>> -> memref<1x125x64xf32, #tpu.memory_space<vmem>>
      %dma_start3A_528 = tpu.memref_squeeze %dma_start3A_527 : memref<1x125x64xf32, #tpu.memory_space<vmem>> -> memref<125x64xf32, #tpu.memory_space<vmem>>
      %dma_start3A_529 = arith.constant 0 : i32
      %dma_start3A_530 = tpu.memref_slice %arg7[%add3A_523, %dma_start3A_529] : memref<160x125xi32, #tpu.memory_space<vmem>> -> memref<1x125xi32, #tpu.memory_space<vmem>>
      %dma_start3A_531 = tpu.memref_squeeze %dma_start3A_530 : memref<1x125xi32, #tpu.memory_space<vmem>> -> memref<125xi32, #tpu.memory_space<vmem>>
      %dma_start3A_532 = arith.constant 0 : i32
      %dma_start3A_533 = arith.constant 0 : i32
      %dma_start3A_534 = tpu.memref_slice %arg10[%dma_start3A_532, %dma_start3A_533] : memref<10240x64xf32, #tpu.memory_space<vmem_shared>> -> memref<10240x64xf32, #tpu.memory_space<vmem_shared>>
      tpu.enqueue_indirect_dma source(%dma_start3A_528 : memref<125x64xf32, #tpu.memory_space<vmem>>) target(%dma_start3A_534 : memref<10240x64xf32, #tpu.memory_space<vmem_shared>>) offsets(%dma_start3A_531 : memref<125xi32, #tpu.memory_space<vmem>>) semaphore(%arg20 : memref<!tpu.dma_semaphore, #tpu.memory_space<semaphore_mem>>) {add = true}
      %add3A_535 = arith.constant 0 : i32
      %add3A_536 = arith.addi %add3A_384, %add3A_535 : i32
      %dma_wait3A_537 = arith.constant 0 : i32
      %dma_wait3A_538 = arith.constant 0 : i32
      %dma_wait3A_539 = arith.constant 0 : i32
      %dma_wait3A_540 = tpu.memref_slice %arg8[%dma_wait3A_537, %dma_wait3A_538, %dma_wait3A_539] : memref<5x125x64xf32, #tpu.memory_space<vmem>> -> memref<1x125x64xf32, #tpu.memory_space<vmem>>
      %dma_wait3A_541 = tpu.memref_squeeze %dma_wait3A_540 : memref<1x125x64xf32, #tpu.memory_space<vmem>> -> memref<125x64xf32, #tpu.memory_space<vmem>>
      %dma_wait3A_542 = arith.constant 0 : i32
      %dma_wait3A_543 = tpu.memref_slice %arg7[%add3A_536, %dma_wait3A_542] : memref<160x125xi32, #tpu.memory_space<vmem>> -> memref<1x125xi32, #tpu.memory_space<vmem>>
      %dma_wait3A_544 = tpu.memref_squeeze %dma_wait3A_543 : memref<1x125xi32, #tpu.memory_space<vmem>> -> memref<125xi32, #tpu.memory_space<vmem>>
      %dma_wait3A_545 = arith.constant 0 : i32
      %dma_wait3A_546 = arith.constant 0 : i32
      %dma_wait3A_547 = tpu.memref_slice %arg10[%dma_wait3A_545, %dma_wait3A_546] : memref<10240x64xf32, #tpu.memory_space<vmem_shared>> -> memref<10240x64xf32, #tpu.memory_space<vmem_shared>>
      tpu.wait_indirect_dma semaphore(%arg16 : memref<!tpu.dma_semaphore, #tpu.memory_space<semaphore_mem>>) src(%dma_wait3A_541 : memref<125x64xf32, #tpu.memory_space<vmem>>) dst(%dma_wait3A_547 : memref<10240x64xf32, #tpu.memory_space<vmem_shared>>)
      %add3A_548 = arith.constant 5 : i32
      %add3A_549 = arith.addi %add3A_384, %add3A_548 : i32
      %add3A_550 = arith.constant 0 : i32
      %add3A_551 = arith.addi %add3A_549, %add3A_550 : i32
      %dma_start3A_552 = arith.constant 0 : i32
      %dma_start3A_553 = arith.constant 0 : i32
      %dma_start3A_554 = arith.constant 0 : i32
      %dma_start3A_555 = tpu.memref_slice %arg8[%dma_start3A_552, %dma_start3A_553, %dma_start3A_554] : memref<5x125x64xf32, #tpu.memory_space<vmem>> -> memref<1x125x64xf32, #tpu.memory_space<vmem>>
      %dma_start3A_556 = tpu.memref_squeeze %dma_start3A_555 : memref<1x125x64xf32, #tpu.memory_space<vmem>> -> memref<125x64xf32, #tpu.memory_space<vmem>>
      %dma_start3A_557 = arith.constant 0 : i32
      %dma_start3A_558 = tpu.memref_slice %arg6[%add3A_551, %dma_start3A_557] : memref<160x125xi32, #tpu.memory_space<vmem>> -> memref<1x125xi32, #tpu.memory_space<vmem>>
      %dma_start3A_559 = tpu.memref_squeeze %dma_start3A_558 : memref<1x125xi32, #tpu.memory_space<vmem>> -> memref<125xi32, #tpu.memory_space<vmem>>
      %dma_start3A_560 = arith.constant 0 : i32
      %dma_start3A_561 = arith.constant 0 : i32
      %dma_start3A_562 = tpu.memref_slice %arg2[%arg0, %dma_start3A_560, %dma_start3A_561] : memref<2x10000x64xf32, #tpu.memory_space<hbm>> -> memref<1x10000x64xf32, #tpu.memory_space<hbm>>
      %dma_start3A_563 = tpu.memref_squeeze %dma_start3A_562 : memref<1x10000x64xf32, #tpu.memory_space<hbm>> -> memref<10000x64xf32, #tpu.memory_space<hbm>>
      %dma_start3A_564 = arith.constant 0 : i32
      %dma_start3A_565 = arith.constant 0 : i32
      %dma_start3A_566 = tpu.memref_slice %dma_start3A_563[%dma_start3A_564, %dma_start3A_565] : memref<10000x64xf32, #tpu.memory_space<hbm>> -> memref<10000x64xf32, #tpu.memory_space<hbm>>
      tpu.enqueue_indirect_dma source(%dma_start3A_566 : memref<10000x64xf32, #tpu.memory_space<hbm>>) target(%dma_start3A_556 : memref<125x64xf32, #tpu.memory_space<vmem>>) offsets(%dma_start3A_559 : memref<125xi32, #tpu.memory_space<vmem>>) semaphore(%arg11 : memref<!tpu.dma_semaphore, #tpu.memory_space<semaphore_mem>>)
      %add3A_567 = arith.constant 1 : i32
      %add3A_568 = arith.addi %add3A_384, %add3A_567 : i32
      %dma_wait3A_569 = arith.constant 1 : i32
      %dma_wait3A_570 = arith.constant 0 : i32
      %dma_wait3A_571 = arith.constant 0 : i32
      %dma_wait3A_572 = tpu.memref_slice %arg8[%dma_wait3A_569, %dma_wait3A_570, %dma_wait3A_571] : memref<5x125x64xf32, #tpu.memory_space<vmem>> -> memref<1x125x64xf32, #tpu.memory_space<vmem>>
      %dma_wait3A_573 = tpu.memref_squeeze %dma_wait3A_572 : memref<1x125x64xf32, #tpu.memory_space<vmem>> -> memref<125x64xf32, #tpu.memory_space<vmem>>
      %dma_wait3A_574 = arith.constant 0 : i32
      %dma_wait3A_575 = tpu.memref_slice %arg7[%add3A_568, %dma_wait3A_574] : memref<160x125xi32, #tpu.memory_space<vmem>> -> memref<1x125xi32, #tpu.memory_space<vmem>>
      %dma_wait3A_576 = tpu.memref_squeeze %dma_wait3A_575 : memref<1x125xi32, #tpu.memory_space<vmem>> -> memref<125xi32, #tpu.memory_space<vmem>>
      %dma_wait3A_577 = arith.constant 0 : i32
      %dma_wait3A_578 = arith.constant 0 : i32
      %dma_wait3A_579 = tpu.memref_slice %arg10[%dma_wait3A_577, %dma_wait3A_578] : memref<10240x64xf32, #tpu.memory_space<vmem_shared>> -> memref<10240x64xf32, #tpu.memory_space<vmem_shared>>
      tpu.wait_indirect_dma semaphore(%arg17 : memref<!tpu.dma_semaphore, #tpu.memory_space<semaphore_mem>>) src(%dma_wait3A_573 : memref<125x64xf32, #tpu.memory_space<vmem>>) dst(%dma_wait3A_579 : memref<10240x64xf32, #tpu.memory_space<vmem_shared>>)
      %add3A_580 = arith.constant 5 : i32
      %add3A_581 = arith.addi %add3A_384, %add3A_580 : i32
      %add3A_582 = arith.constant 1 : i32
      %add3A_583 = arith.addi %add3A_581, %add3A_582 : i32
      %dma_start3A_584 = arith.constant 1 : i32
      %dma_start3A_585 = arith.constant 0 : i32
      %dma_start3A_586 = arith.constant 0 : i32
      %dma_start3A_587 = tpu.memref_slice %arg8[%dma_start3A_584, %dma_start3A_585, %dma_start3A_586] : memref<5x125x64xf32, #tpu.memory_space<vmem>> -> memref<1x125x64xf32, #tpu.memory_space<vmem>>
      %dma_start3A_588 = tpu.memref_squeeze %dma_start3A_587 : memref<1x125x64xf32, #tpu.memory_space<vmem>> -> memref<125x64xf32, #tpu.memory_space<vmem>>
      %dma_start3A_589 = arith.constant 0 : i32
      %dma_start3A_590 = tpu.memref_slice %arg6[%add3A_583, %dma_start3A_589] : memref<160x125xi32, #tpu.memory_space<vmem>> -> memref<1x125xi32, #tpu.memory_space<vmem>>
      %dma_start3A_591 = tpu.memref_squeeze %dma_start3A_590 : memref<1x125xi32, #tpu.memory_space<vmem>> -> memref<125xi32, #tpu.memory_space<vmem>>
      %dma_start3A_592 = arith.constant 0 : i32
      %dma_start3A_593 = arith.constant 0 : i32
      %dma_start3A_594 = tpu.memref_slice %arg2[%arg0, %dma_start3A_592, %dma_start3A_593] : memref<2x10000x64xf32, #tpu.memory_space<hbm>> -> memref<1x10000x64xf32, #tpu.memory_space<hbm>>
      %dma_start3A_595 = tpu.memref_squeeze %dma_start3A_594 : memref<1x10000x64xf32, #tpu.memory_space<hbm>> -> memref<10000x64xf32, #tpu.memory_space<hbm>>
      %dma_start3A_596 = arith.constant 0 : i32
      %dma_start3A_597 = arith.constant 0 : i32
      %dma_start3A_598 = tpu.memref_slice %dma_start3A_595[%dma_start3A_596, %dma_start3A_597] : memref<10000x64xf32, #tpu.memory_space<hbm>> -> memref<10000x64xf32, #tpu.memory_space<hbm>>
      tpu.enqueue_indirect_dma source(%dma_start3A_598 : memref<10000x64xf32, #tpu.memory_space<hbm>>) target(%dma_start3A_588 : memref<125x64xf32, #tpu.memory_space<vmem>>) offsets(%dma_start3A_591 : memref<125xi32, #tpu.memory_space<vmem>>) semaphore(%arg12 : memref<!tpu.dma_semaphore, #tpu.memory_space<semaphore_mem>>)
      %add3A_599 = arith.constant 2 : i32
      %add3A_600 = arith.addi %add3A_384, %add3A_599 : i32
      %dma_wait3A_601 = arith.constant 2 : i32
      %dma_wait3A_602 = arith.constant 0 : i32
      %dma_wait3A_603 = arith.constant 0 : i32
      %dma_wait3A_604 = tpu.memref_slice %arg8[%dma_wait3A_601, %dma_wait3A_602, %dma_wait3A_603] : memref<5x125x64xf32, #tpu.memory_space<vmem>> -> memref<1x125x64xf32, #tpu.memory_space<vmem>>
      %dma_wait3A_605 = tpu.memref_squeeze %dma_wait3A_604 : memref<1x125x64xf32, #tpu.memory_space<vmem>> -> memref<125x64xf32, #tpu.memory_space<vmem>>
      %dma_wait3A_606 = arith.constant 0 : i32
      %dma_wait3A_607 = tpu.memref_slice %arg7[%add3A_600, %dma_wait3A_606] : memref<160x125xi32, #tpu.memory_space<vmem>> -> memref<1x125xi32, #tpu.memory_space<vmem>>
      %dma_wait3A_608 = tpu.memref_squeeze %dma_wait3A_607 : memref<1x125xi32, #tpu.memory_space<vmem>> -> memref<125xi32, #tpu.memory_space<vmem>>
      %dma_wait3A_609 = arith.constant 0 : i32
      %dma_wait3A_610 = arith.constant 0 : i32
      %dma_wait3A_611 = tpu.memref_slice %arg10[%dma_wait3A_609, %dma_wait3A_610] : memref<10240x64xf32, #tpu.memory_space<vmem_shared>> -> memref<10240x64xf32, #tpu.memory_space<vmem_shared>>
      tpu.wait_indirect_dma semaphore(%arg18 : memref<!tpu.dma_semaphore, #tpu.memory_space<semaphore_mem>>) src(%dma_wait3A_605 : memref<125x64xf32, #tpu.memory_space<vmem>>) dst(%dma_wait3A_611 : memref<10240x64xf32, #tpu.memory_space<vmem_shared>>)
      %add3A_612 = arith.constant 5 : i32
      %add3A_613 = arith.addi %add3A_384, %add3A_612 : i32
      %add3A_614 = arith.constant 2 : i32
      %add3A_615 = arith.addi %add3A_613, %add3A_614 : i32
      %dma_start3A_616 = arith.constant 2 : i32
      %dma_start3A_617 = arith.constant 0 : i32
      %dma_start3A_618 = arith.constant 0 : i32
      %dma_start3A_619 = tpu.memref_slice %arg8[%dma_start3A_616, %dma_start3A_617, %dma_start3A_618] : memref<5x125x64xf32, #tpu.memory_space<vmem>> -> memref<1x125x64xf32, #tpu.memory_space<vmem>>
      %dma_start3A_620 = tpu.memref_squeeze %dma_start3A_619 : memref<1x125x64xf32, #tpu.memory_space<vmem>> -> memref<125x64xf32, #tpu.memory_space<vmem>>
      %dma_start3A_621 = arith.constant 0 : i32
      %dma_start3A_622 = tpu.memref_slice %arg6[%add3A_615, %dma_start3A_621] : memref<160x125xi32, #tpu.memory_space<vmem>> -> memref<1x125xi32, #tpu.memory_space<vmem>>
      %dma_start3A_623 = tpu.memref_squeeze %dma_start3A_622 : memref<1x125xi32, #tpu.memory_space<vmem>> -> memref<125xi32, #tpu.memory_space<vmem>>
      %dma_start3A_624 = arith.constant 0 : i32
      %dma_start3A_625 = arith.constant 0 : i32
      %dma_start3A_626 = tpu.memref_slice %arg2[%arg0, %dma_start3A_624, %dma_start3A_625] : memref<2x10000x64xf32, #tpu.memory_space<hbm>> -> memref<1x10000x64xf32, #tpu.memory_space<hbm>>
      %dma_start3A_627 = tpu.memref_squeeze %dma_start3A_626 : memref<1x10000x64xf32, #tpu.memory_space<hbm>> -> memref<10000x64xf32, #tpu.memory_space<hbm>>
      %dma_start3A_628 = arith.constant 0 : i32
      %dma_start3A_629 = arith.constant 0 : i32
      %dma_start3A_630 = tpu.memref_slice %dma_start3A_627[%dma_start3A_628, %dma_start3A_629] : memref<10000x64xf32, #tpu.memory_space<hbm>> -> memref<10000x64xf32, #tpu.memory_space<hbm>>
      tpu.enqueue_indirect_dma source(%dma_start3A_630 : memref<10000x64xf32, #tpu.memory_space<hbm>>) target(%dma_start3A_620 : memref<125x64xf32, #tpu.memory_space<vmem>>) offsets(%dma_start3A_623 : memref<125xi32, #tpu.memory_space<vmem>>) semaphore(%arg13 : memref<!tpu.dma_semaphore, #tpu.memory_space<semaphore_mem>>)
      %add3A_631 = arith.constant 3 : i32
      %add3A_632 = arith.addi %add3A_384, %add3A_631 : i32
      %dma_wait3A_633 = arith.constant 3 : i32
      %dma_wait3A_634 = arith.constant 0 : i32
      %dma_wait3A_635 = arith.constant 0 : i32
      %dma_wait3A_636 = tpu.memref_slice %arg8[%dma_wait3A_633, %dma_wait3A_634, %dma_wait3A_635] : memref<5x125x64xf32, #tpu.memory_space<vmem>> -> memref<1x125x64xf32, #tpu.memory_space<vmem>>
      %dma_wait3A_637 = tpu.memref_squeeze %dma_wait3A_636 : memref<1x125x64xf32, #tpu.memory_space<vmem>> -> memref<125x64xf32, #tpu.memory_space<vmem>>
      %dma_wait3A_638 = arith.constant 0 : i32
      %dma_wait3A_639 = tpu.memref_slice %arg7[%add3A_632, %dma_wait3A_638] : memref<160x125xi32, #tpu.memory_space<vmem>> -> memref<1x125xi32, #tpu.memory_space<vmem>>
      %dma_wait3A_640 = tpu.memref_squeeze %dma_wait3A_639 : memref<1x125xi32, #tpu.memory_space<vmem>> -> memref<125xi32, #tpu.memory_space<vmem>>
      %dma_wait3A_641 = arith.constant 0 : i32
      %dma_wait3A_642 = arith.constant 0 : i32
      %dma_wait3A_643 = tpu.memref_slice %arg10[%dma_wait3A_641, %dma_wait3A_642] : memref<10240x64xf32, #tpu.memory_space<vmem_shared>> -> memref<10240x64xf32, #tpu.memory_space<vmem_shared>>
      tpu.wait_indirect_dma semaphore(%arg19 : memref<!tpu.dma_semaphore, #tpu.memory_space<semaphore_mem>>) src(%dma_wait3A_637 : memref<125x64xf32, #tpu.memory_space<vmem>>) dst(%dma_wait3A_643 : memref<10240x64xf32, #tpu.memory_space<vmem_shared>>)
      %add3A_644 = arith.constant 5 : i32
      %add3A_645 = arith.addi %add3A_384, %add3A_644 : i32
      %add3A_646 = arith.constant 3 : i32
      %add3A_647 = arith.addi %add3A_645, %add3A_646 : i32
      %dma_start3A_648 = arith.constant 3 : i32
      %dma_start3A_649 = arith.constant 0 : i32
      %dma_start3A_650 = arith.constant 0 : i32
      %dma_start3A_651 = tpu.memref_slice %arg8[%dma_start3A_648, %dma_start3A_649, %dma_start3A_650] : memref<5x125x64xf32, #tpu.memory_space<vmem>> -> memref<1x125x64xf32, #tpu.memory_space<vmem>>
      %dma_start3A_652 = tpu.memref_squeeze %dma_start3A_651 : memref<1x125x64xf32, #tpu.memory_space<vmem>> -> memref<125x64xf32, #tpu.memory_space<vmem>>
      %dma_start3A_653 = arith.constant 0 : i32
      %dma_start3A_654 = tpu.memref_slice %arg6[%add3A_647, %dma_start3A_653] : memref<160x125xi32, #tpu.memory_space<vmem>> -> memref<1x125xi32, #tpu.memory_space<vmem>>
      %dma_start3A_655 = tpu.memref_squeeze %dma_start3A_654 : memref<1x125xi32, #tpu.memory_space<vmem>> -> memref<125xi32, #tpu.memory_space<vmem>>
      %dma_start3A_656 = arith.constant 0 : i32
      %dma_start3A_657 = arith.constant 0 : i32
      %dma_start3A_658 = tpu.memref_slice %arg2[%arg0, %dma_start3A_656, %dma_start3A_657] : memref<2x10000x64xf32, #tpu.memory_space<hbm>> -> memref<1x10000x64xf32, #tpu.memory_space<hbm>>
      %dma_start3A_659 = tpu.memref_squeeze %dma_start3A_658 : memref<1x10000x64xf32, #tpu.memory_space<hbm>> -> memref<10000x64xf32, #tpu.memory_space<hbm>>
      %dma_start3A_660 = arith.constant 0 : i32
      %dma_start3A_661 = arith.constant 0 : i32
      %dma_start3A_662 = tpu.memref_slice %dma_start3A_659[%dma_start3A_660, %dma_start3A_661] : memref<10000x64xf32, #tpu.memory_space<hbm>> -> memref<10000x64xf32, #tpu.memory_space<hbm>>
      tpu.enqueue_indirect_dma source(%dma_start3A_662 : memref<10000x64xf32, #tpu.memory_space<hbm>>) target(%dma_start3A_652 : memref<125x64xf32, #tpu.memory_space<vmem>>) offsets(%dma_start3A_655 : memref<125xi32, #tpu.memory_space<vmem>>) semaphore(%arg14 : memref<!tpu.dma_semaphore, #tpu.memory_space<semaphore_mem>>)
      %add3A_663 = arith.constant 4 : i32
      %add3A_664 = arith.addi %add3A_384, %add3A_663 : i32
      %dma_wait3A_665 = arith.constant 4 : i32
      %dma_wait3A_666 = arith.constant 0 : i32
      %dma_wait3A_667 = arith.constant 0 : i32
      %dma_wait3A_668 = tpu.memref_slice %arg8[%dma_wait3A_665, %dma_wait3A_666, %dma_wait3A_667] : memref<5x125x64xf32, #tpu.memory_space<vmem>> -> memref<1x125x64xf32, #tpu.memory_space<vmem>>
      %dma_wait3A_669 = tpu.memref_squeeze %dma_wait3A_668 : memref<1x125x64xf32, #tpu.memory_space<vmem>> -> memref<125x64xf32, #tpu.memory_space<vmem>>
      %dma_wait3A_670 = arith.constant 0 : i32
      %dma_wait3A_671 = tpu.memref_slice %arg7[%add3A_664, %dma_wait3A_670] : memref<160x125xi32, #tpu.memory_space<vmem>> -> memref<1x125xi32, #tpu.memory_space<vmem>>
      %dma_wait3A_672 = tpu.memref_squeeze %dma_wait3A_671 : memref<1x125xi32, #tpu.memory_space<vmem>> -> memref<125xi32, #tpu.memory_space<vmem>>
      %dma_wait3A_673 = arith.constant 0 : i32
      %dma_wait3A_674 = arith.constant 0 : i32
      %dma_wait3A_675 = tpu.memref_slice %arg10[%dma_wait3A_673, %dma_wait3A_674] : memref<10240x64xf32, #tpu.memory_space<vmem_shared>> -> memref<10240x64xf32, #tpu.memory_space<vmem_shared>>
      tpu.wait_indirect_dma semaphore(%arg20 : memref<!tpu.dma_semaphore, #tpu.memory_space<semaphore_mem>>) src(%dma_wait3A_669 : memref<125x64xf32, #tpu.memory_space<vmem>>) dst(%dma_wait3A_675 : memref<10240x64xf32, #tpu.memory_space<vmem_shared>>)
      %add3A_676 = arith.constant 5 : i32
      %add3A_677 = arith.addi %add3A_384, %add3A_676 : i32
      %add3A_678 = arith.constant 4 : i32
      %add3A_679 = arith.addi %add3A_677, %add3A_678 : i32
      %dma_start3A_680 = arith.constant 4 : i32
      %dma_start3A_681 = arith.constant 0 : i32
      %dma_start3A_682 = arith.constant 0 : i32
      %dma_start3A_683 = tpu.memref_slice %arg8[%dma_start3A_680, %dma_start3A_681, %dma_start3A_682] : memref<5x125x64xf32, #tpu.memory_space<vmem>> -> memref<1x125x64xf32, #tpu.memory_space<vmem>>
      %dma_start3A_684 = tpu.memref_squeeze %dma_start3A_683 : memref<1x125x64xf32, #tpu.memory_space<vmem>> -> memref<125x64xf32, #tpu.memory_space<vmem>>
      %dma_start3A_685 = arith.constant 0 : i32
      %dma_start3A_686 = tpu.memref_slice %arg6[%add3A_679, %dma_start3A_685] : memref<160x125xi32, #tpu.memory_space<vmem>> -> memref<1x125xi32, #tpu.memory_space<vmem>>
      %dma_start3A_687 = tpu.memref_squeeze %dma_start3A_686 : memref<1x125xi32, #tpu.memory_space<vmem>> -> memref<125xi32, #tpu.memory_space<vmem>>
      %dma_start3A_688 = arith.constant 0 : i32
      %dma_start3A_689 = arith.constant 0 : i32
      %dma_start3A_690 = tpu.memref_slice %arg2[%arg0, %dma_start3A_688, %dma_start3A_689] : memref<2x10000x64xf32, #tpu.memory_space<hbm>> -> memref<1x10000x64xf32, #tpu.memory_space<hbm>>
      %dma_start3A_691 = tpu.memref_squeeze %dma_start3A_690 : memref<1x10000x64xf32, #tpu.memory_space<hbm>> -> memref<10000x64xf32, #tpu.memory_space<hbm>>
      %dma_start3A_692 = arith.constant 0 : i32
      %dma_start3A_693 = arith.constant 0 : i32
      %dma_start3A_694 = tpu.memref_slice %dma_start3A_691[%dma_start3A_692, %dma_start3A_693] : memref<10000x64xf32, #tpu.memory_space<hbm>> -> memref<10000x64xf32, #tpu.memory_space<hbm>>
      tpu.enqueue_indirect_dma source(%dma_start3A_694 : memref<10000x64xf32, #tpu.memory_space<hbm>>) target(%dma_start3A_684 : memref<125x64xf32, #tpu.memory_space<vmem>>) offsets(%dma_start3A_687 : memref<125xi32, #tpu.memory_space<vmem>>) semaphore(%arg15 : memref<!tpu.dma_semaphore, #tpu.memory_space<semaphore_mem>>)
    }
    %scan3A_178 = arith.constant 31 : i32
    %dma_wait3A_179 = arith.constant 155 : i32
    %dma_wait3A_180 = arith.constant 0 : i32
    %dma_wait3A_181 = arith.constant 0 : i32
    %dma_wait3A_182 = arith.constant 0 : i32
    %dma_wait3A_183 = tpu.memref_slice %arg8[%dma_wait3A_180, %dma_wait3A_181, %dma_wait3A_182] : memref<5x125x64xf32, #tpu.memory_space<vmem>> -> memref<1x125x64xf32, #tpu.memory_space<vmem>>
    %dma_wait3A_184 = tpu.memref_squeeze %dma_wait3A_183 : memref<1x125x64xf32, #tpu.memory_space<vmem>> -> memref<125x64xf32, #tpu.memory_space<vmem>>
    %dma_wait3A_185 = arith.constant 0 : i32
    %dma_wait3A_186 = tpu.memref_slice %arg6[%dma_wait3A_179, %dma_wait3A_185] : memref<160x125xi32, #tpu.memory_space<vmem>> -> memref<1x125xi32, #tpu.memory_space<vmem>>
    %dma_wait3A_187 = tpu.memref_squeeze %dma_wait3A_186 : memref<1x125xi32, #tpu.memory_space<vmem>> -> memref<125xi32, #tpu.memory_space<vmem>>
    %dma_wait3A_188 = arith.constant 0 : i32
    %dma_wait3A_189 = arith.constant 0 : i32
    %dma_wait3A_190 = tpu.memref_slice %arg2[%arg0, %dma_wait3A_188, %dma_wait3A_189] : memref<2x10000x64xf32, #tpu.memory_space<hbm>> -> memref<1x10000x64xf32, #tpu.memory_space<hbm>>
    %dma_wait3A_191 = tpu.memref_squeeze %dma_wait3A_190 : memref<1x10000x64xf32, #tpu.memory_space<hbm>> -> memref<10000x64xf32, #tpu.memory_space<hbm>>
    %dma_wait3A_192 = arith.constant 0 : i32
    %dma_wait3A_193 = arith.constant 0 : i32
    %dma_wait3A_194 = tpu.memref_slice %dma_wait3A_191[%dma_wait3A_192, %dma_wait3A_193] : memref<10000x64xf32, #tpu.memory_space<hbm>> -> memref<10000x64xf32, #tpu.memory_space<hbm>>
    tpu.wait_indirect_dma semaphore(%arg11 : memref<!tpu.dma_semaphore, #tpu.memory_space<semaphore_mem>>) src(%dma_wait3A_194 : memref<10000x64xf32, #tpu.memory_space<hbm>>) dst(%dma_wait3A_184 : memref<125x64xf32, #tpu.memory_space<vmem>>)
    %dma_start3A_195 = arith.constant 0 : i32
    %dma_start3A_196 = arith.constant 155 : i32
    %dma_start3A_197 = arith.constant 0 : i32
    %dma_start3A_198 = arith.constant 0 : i32
    %dma_start3A_199 = tpu.memref_slice %arg8[%dma_start3A_195, %dma_start3A_197, %dma_start3A_198] : memref<5x125x64xf32, #tpu.memory_space<vmem>> -> memref<1x125x64xf32, #tpu.memory_space<vmem>>
    %dma_start3A_200 = tpu.memref_squeeze %dma_start3A_199 : memref<1x125x64xf32, #tpu.memory_space<vmem>> -> memref<125x64xf32, #tpu.memory_space<vmem>>
    %dma_start3A_201 = arith.constant 0 : i32
    %dma_start3A_202 = tpu.memref_slice %arg7[%dma_start3A_196, %dma_start3A_201] : memref<160x125xi32, #tpu.memory_space<vmem>> -> memref<1x125xi32, #tpu.memory_space<vmem>>
    %dma_start3A_203 = tpu.memref_squeeze %dma_start3A_202 : memref<1x125xi32, #tpu.memory_space<vmem>> -> memref<125xi32, #tpu.memory_space<vmem>>
    %dma_start3A_204 = arith.constant 0 : i32
    %dma_start3A_205 = arith.constant 0 : i32
    %dma_start3A_206 = tpu.memref_slice %arg10[%dma_start3A_204, %dma_start3A_205] : memref<10240x64xf32, #tpu.memory_space<vmem_shared>> -> memref<10240x64xf32, #tpu.memory_space<vmem_shared>>
    tpu.enqueue_indirect_dma source(%dma_start3A_200 : memref<125x64xf32, #tpu.memory_space<vmem>>) target(%dma_start3A_206 : memref<10240x64xf32, #tpu.memory_space<vmem_shared>>) offsets(%dma_start3A_203 : memref<125xi32, #tpu.memory_space<vmem>>) semaphore(%arg16 : memref<!tpu.dma_semaphore, #tpu.memory_space<semaphore_mem>>) {add = true}
    %dma_wait3A_207 = arith.constant 156 : i32
    %dma_wait3A_208 = arith.constant 1 : i32
    %dma_wait3A_209 = arith.constant 0 : i32
    %dma_wait3A_210 = arith.constant 0 : i32
    %dma_wait3A_211 = tpu.memref_slice %arg8[%dma_wait3A_208, %dma_wait3A_209, %dma_wait3A_210] : memref<5x125x64xf32, #tpu.memory_space<vmem>> -> memref<1x125x64xf32, #tpu.memory_space<vmem>>
    %dma_wait3A_212 = tpu.memref_squeeze %dma_wait3A_211 : memref<1x125x64xf32, #tpu.memory_space<vmem>> -> memref<125x64xf32, #tpu.memory_space<vmem>>
    %dma_wait3A_213 = arith.constant 0 : i32
    %dma_wait3A_214 = tpu.memref_slice %arg6[%dma_wait3A_207, %dma_wait3A_213] : memref<160x125xi32, #tpu.memory_space<vmem>> -> memref<1x125xi32, #tpu.memory_space<vmem>>
    %dma_wait3A_215 = tpu.memref_squeeze %dma_wait3A_214 : memref<1x125xi32, #tpu.memory_space<vmem>> -> memref<125xi32, #tpu.memory_space<vmem>>
    %dma_wait3A_216 = arith.constant 0 : i32
    %dma_wait3A_217 = arith.constant 0 : i32
    %dma_wait3A_218 = tpu.memref_slice %arg2[%arg0, %dma_wait3A_216, %dma_wait3A_217] : memref<2x10000x64xf32, #tpu.memory_space<hbm>> -> memref<1x10000x64xf32, #tpu.memory_space<hbm>>
    %dma_wait3A_219 = tpu.memref_squeeze %dma_wait3A_218 : memref<1x10000x64xf32, #tpu.memory_space<hbm>> -> memref<10000x64xf32, #tpu.memory_space<hbm>>
    %dma_wait3A_220 = arith.constant 0 : i32
    %dma_wait3A_221 = arith.constant 0 : i32
    %dma_wait3A_222 = tpu.memref_slice %dma_wait3A_219[%dma_wait3A_220, %dma_wait3A_221] : memref<10000x64xf32, #tpu.memory_space<hbm>> -> memref<10000x64xf32, #tpu.memory_space<hbm>>
    tpu.wait_indirect_dma semaphore(%arg12 : memref<!tpu.dma_semaphore, #tpu.memory_space<semaphore_mem>>) src(%dma_wait3A_222 : memref<10000x64xf32, #tpu.memory_space<hbm>>) dst(%dma_wait3A_212 : memref<125x64xf32, #tpu.memory_space<vmem>>)
    %dma_start3A_223 = arith.constant 1 : i32
    %dma_start3A_224 = arith.constant 156 : i32
    %dma_start3A_225 = arith.constant 0 : i32
    %dma_start3A_226 = arith.constant 0 : i32
    %dma_start3A_227 = tpu.memref_slice %arg8[%dma_start3A_223, %dma_start3A_225, %dma_start3A_226] : memref<5x125x64xf32, #tpu.memory_space<vmem>> -> memref<1x125x64xf32, #tpu.memory_space<vmem>>
    %dma_start3A_228 = tpu.memref_squeeze %dma_start3A_227 : memref<1x125x64xf32, #tpu.memory_space<vmem>> -> memref<125x64xf32, #tpu.memory_space<vmem>>
    %dma_start3A_229 = arith.constant 0 : i32
    %dma_start3A_230 = tpu.memref_slice %arg7[%dma_start3A_224, %dma_start3A_229] : memref<160x125xi32, #tpu.memory_space<vmem>> -> memref<1x125xi32, #tpu.memory_space<vmem>>
    %dma_start3A_231 = tpu.memref_squeeze %dma_start3A_230 : memref<1x125xi32, #tpu.memory_space<vmem>> -> memref<125xi32, #tpu.memory_space<vmem>>
    %dma_start3A_232 = arith.constant 0 : i32
    %dma_start3A_233 = arith.constant 0 : i32
    %dma_start3A_234 = tpu.memref_slice %arg10[%dma_start3A_232, %dma_start3A_233] : memref<10240x64xf32, #tpu.memory_space<vmem_shared>> -> memref<10240x64xf32, #tpu.memory_space<vmem_shared>>
    tpu.enqueue_indirect_dma source(%dma_start3A_228 : memref<125x64xf32, #tpu.memory_space<vmem>>) target(%dma_start3A_234 : memref<10240x64xf32, #tpu.memory_space<vmem_shared>>) offsets(%dma_start3A_231 : memref<125xi32, #tpu.memory_space<vmem>>) semaphore(%arg17 : memref<!tpu.dma_semaphore, #tpu.memory_space<semaphore_mem>>) {add = true}
    %dma_wait3A_235 = arith.constant 157 : i32
    %dma_wait3A_236 = arith.constant 2 : i32
    %dma_wait3A_237 = arith.constant 0 : i32
    %dma_wait3A_238 = arith.constant 0 : i32
    %dma_wait3A_239 = tpu.memref_slice %arg8[%dma_wait3A_236, %dma_wait3A_237, %dma_wait3A_238] : memref<5x125x64xf32, #tpu.memory_space<vmem>> -> memref<1x125x64xf32, #tpu.memory_space<vmem>>
    %dma_wait3A_240 = tpu.memref_squeeze %dma_wait3A_239 : memref<1x125x64xf32, #tpu.memory_space<vmem>> -> memref<125x64xf32, #tpu.memory_space<vmem>>
    %dma_wait3A_241 = arith.constant 0 : i32
    %dma_wait3A_242 = tpu.memref_slice %arg6[%dma_wait3A_235, %dma_wait3A_241] : memref<160x125xi32, #tpu.memory_space<vmem>> -> memref<1x125xi32, #tpu.memory_space<vmem>>
    %dma_wait3A_243 = tpu.memref_squeeze %dma_wait3A_242 : memref<1x125xi32, #tpu.memory_space<vmem>> -> memref<125xi32, #tpu.memory_space<vmem>>
    %dma_wait3A_244 = arith.constant 0 : i32
    %dma_wait3A_245 = arith.constant 0 : i32
    %dma_wait3A_246 = tpu.memref_slice %arg2[%arg0, %dma_wait3A_244, %dma_wait3A_245] : memref<2x10000x64xf32, #tpu.memory_space<hbm>> -> memref<1x10000x64xf32, #tpu.memory_space<hbm>>
    %dma_wait3A_247 = tpu.memref_squeeze %dma_wait3A_246 : memref<1x10000x64xf32, #tpu.memory_space<hbm>> -> memref<10000x64xf32, #tpu.memory_space<hbm>>
    %dma_wait3A_248 = arith.constant 0 : i32
    %dma_wait3A_249 = arith.constant 0 : i32
    %dma_wait3A_250 = tpu.memref_slice %dma_wait3A_247[%dma_wait3A_248, %dma_wait3A_249] : memref<10000x64xf32, #tpu.memory_space<hbm>> -> memref<10000x64xf32, #tpu.memory_space<hbm>>
    tpu.wait_indirect_dma semaphore(%arg13 : memref<!tpu.dma_semaphore, #tpu.memory_space<semaphore_mem>>) src(%dma_wait3A_250 : memref<10000x64xf32, #tpu.memory_space<hbm>>) dst(%dma_wait3A_240 : memref<125x64xf32, #tpu.memory_space<vmem>>)
    %dma_start3A_251 = arith.constant 2 : i32
    %dma_start3A_252 = arith.constant 157 : i32
    %dma_start3A_253 = arith.constant 0 : i32
    %dma_start3A_254 = arith.constant 0 : i32
    %dma_start3A_255 = tpu.memref_slice %arg8[%dma_start3A_251, %dma_start3A_253, %dma_start3A_254] : memref<5x125x64xf32, #tpu.memory_space<vmem>> -> memref<1x125x64xf32, #tpu.memory_space<vmem>>
    %dma_start3A_256 = tpu.memref_squeeze %dma_start3A_255 : memref<1x125x64xf32, #tpu.memory_space<vmem>> -> memref<125x64xf32, #tpu.memory_space<vmem>>
    %dma_start3A_257 = arith.constant 0 : i32
    %dma_start3A_258 = tpu.memref_slice %arg7[%dma_start3A_252, %dma_start3A_257] : memref<160x125xi32, #tpu.memory_space<vmem>> -> memref<1x125xi32, #tpu.memory_space<vmem>>
    %dma_start3A_259 = tpu.memref_squeeze %dma_start3A_258 : memref<1x125xi32, #tpu.memory_space<vmem>> -> memref<125xi32, #tpu.memory_space<vmem>>
    %dma_start3A_260 = arith.constant 0 : i32
    %dma_start3A_261 = arith.constant 0 : i32
    %dma_start3A_262 = tpu.memref_slice %arg10[%dma_start3A_260, %dma_start3A_261] : memref<10240x64xf32, #tpu.memory_space<vmem_shared>> -> memref<10240x64xf32, #tpu.memory_space<vmem_shared>>
    tpu.enqueue_indirect_dma source(%dma_start3A_256 : memref<125x64xf32, #tpu.memory_space<vmem>>) target(%dma_start3A_262 : memref<10240x64xf32, #tpu.memory_space<vmem_shared>>) offsets(%dma_start3A_259 : memref<125xi32, #tpu.memory_space<vmem>>) semaphore(%arg18 : memref<!tpu.dma_semaphore, #tpu.memory_space<semaphore_mem>>) {add = true}
    %dma_wait3A_263 = arith.constant 158 : i32
    %dma_wait3A_264 = arith.constant 3 : i32
    %dma_wait3A_265 = arith.constant 0 : i32
    %dma_wait3A_266 = arith.constant 0 : i32
    %dma_wait3A_267 = tpu.memref_slice %arg8[%dma_wait3A_264, %dma_wait3A_265, %dma_wait3A_266] : memref<5x125x64xf32, #tpu.memory_space<vmem>> -> memref<1x125x64xf32, #tpu.memory_space<vmem>>
    %dma_wait3A_268 = tpu.memref_squeeze %dma_wait3A_267 : memref<1x125x64xf32, #tpu.memory_space<vmem>> -> memref<125x64xf32, #tpu.memory_space<vmem>>
    %dma_wait3A_269 = arith.constant 0 : i32
    %dma_wait3A_270 = tpu.memref_slice %arg6[%dma_wait3A_263, %dma_wait3A_269] : memref<160x125xi32, #tpu.memory_space<vmem>> -> memref<1x125xi32, #tpu.memory_space<vmem>>
    %dma_wait3A_271 = tpu.memref_squeeze %dma_wait3A_270 : memref<1x125xi32, #tpu.memory_space<vmem>> -> memref<125xi32, #tpu.memory_space<vmem>>
    %dma_wait3A_272 = arith.constant 0 : i32
    %dma_wait3A_273 = arith.constant 0 : i32
    %dma_wait3A_274 = tpu.memref_slice %arg2[%arg0, %dma_wait3A_272, %dma_wait3A_273] : memref<2x10000x64xf32, #tpu.memory_space<hbm>> -> memref<1x10000x64xf32, #tpu.memory_space<hbm>>
    %dma_wait3A_275 = tpu.memref_squeeze %dma_wait3A_274 : memref<1x10000x64xf32, #tpu.memory_space<hbm>> -> memref<10000x64xf32, #tpu.memory_space<hbm>>
    %dma_wait3A_276 = arith.constant 0 : i32
    %dma_wait3A_277 = arith.constant 0 : i32
    %dma_wait3A_278 = tpu.memref_slice %dma_wait3A_275[%dma_wait3A_276, %dma_wait3A_277] : memref<10000x64xf32, #tpu.memory_space<hbm>> -> memref<10000x64xf32, #tpu.memory_space<hbm>>
    tpu.wait_indirect_dma semaphore(%arg14 : memref<!tpu.dma_semaphore, #tpu.memory_space<semaphore_mem>>) src(%dma_wait3A_278 : memref<10000x64xf32, #tpu.memory_space<hbm>>) dst(%dma_wait3A_268 : memref<125x64xf32, #tpu.memory_space<vmem>>)
    %dma_start3A_279 = arith.constant 3 : i32
    %dma_start3A_280 = arith.constant 158 : i32
    %dma_start3A_281 = arith.constant 0 : i32
    %dma_start3A_282 = arith.constant 0 : i32
    %dma_start3A_283 = tpu.memref_slice %arg8[%dma_start3A_279, %dma_start3A_281, %dma_start3A_282] : memref<5x125x64xf32, #tpu.memory_space<vmem>> -> memref<1x125x64xf32, #tpu.memory_space<vmem>>
    %dma_start3A_284 = tpu.memref_squeeze %dma_start3A_283 : memref<1x125x64xf32, #tpu.memory_space<vmem>> -> memref<125x64xf32, #tpu.memory_space<vmem>>
    %dma_start3A_285 = arith.constant 0 : i32
    %dma_start3A_286 = tpu.memref_slice %arg7[%dma_start3A_280, %dma_start3A_285] : memref<160x125xi32, #tpu.memory_space<vmem>> -> memref<1x125xi32, #tpu.memory_space<vmem>>
    %dma_start3A_287 = tpu.memref_squeeze %dma_start3A_286 : memref<1x125xi32, #tpu.memory_space<vmem>> -> memref<125xi32, #tpu.memory_space<vmem>>
    %dma_start3A_288 = arith.constant 0 : i32
    %dma_start3A_289 = arith.constant 0 : i32
    %dma_start3A_290 = tpu.memref_slice %arg10[%dma_start3A_288, %dma_start3A_289] : memref<10240x64xf32, #tpu.memory_space<vmem_shared>> -> memref<10240x64xf32, #tpu.memory_space<vmem_shared>>
    tpu.enqueue_indirect_dma source(%dma_start3A_284 : memref<125x64xf32, #tpu.memory_space<vmem>>) target(%dma_start3A_290 : memref<10240x64xf32, #tpu.memory_space<vmem_shared>>) offsets(%dma_start3A_287 : memref<125xi32, #tpu.memory_space<vmem>>) semaphore(%arg19 : memref<!tpu.dma_semaphore, #tpu.memory_space<semaphore_mem>>) {add = true}
    %dma_wait3A_291 = arith.constant 159 : i32
    %dma_wait3A_292 = arith.constant 4 : i32
    %dma_wait3A_293 = arith.constant 0 : i32
    %dma_wait3A_294 = arith.constant 0 : i32
    %dma_wait3A_295 = tpu.memref_slice %arg8[%dma_wait3A_292, %dma_wait3A_293, %dma_wait3A_294] : memref<5x125x64xf32, #tpu.memory_space<vmem>> -> memref<1x125x64xf32, #tpu.memory_space<vmem>>
    %dma_wait3A_296 = tpu.memref_squeeze %dma_wait3A_295 : memref<1x125x64xf32, #tpu.memory_space<vmem>> -> memref<125x64xf32, #tpu.memory_space<vmem>>
    %dma_wait3A_297 = arith.constant 0 : i32
    %dma_wait3A_298 = tpu.memref_slice %arg6[%dma_wait3A_291, %dma_wait3A_297] : memref<160x125xi32, #tpu.memory_space<vmem>> -> memref<1x125xi32, #tpu.memory_space<vmem>>
    %dma_wait3A_299 = tpu.memref_squeeze %dma_wait3A_298 : memref<1x125xi32, #tpu.memory_space<vmem>> -> memref<125xi32, #tpu.memory_space<vmem>>
    %dma_wait3A_300 = arith.constant 0 : i32
    %dma_wait3A_301 = arith.constant 0 : i32
    %dma_wait3A_302 = tpu.memref_slice %arg2[%arg0, %dma_wait3A_300, %dma_wait3A_301] : memref<2x10000x64xf32, #tpu.memory_space<hbm>> -> memref<1x10000x64xf32, #tpu.memory_space<hbm>>
    %dma_wait3A_303 = tpu.memref_squeeze %dma_wait3A_302 : memref<1x10000x64xf32, #tpu.memory_space<hbm>> -> memref<10000x64xf32, #tpu.memory_space<hbm>>
    %dma_wait3A_304 = arith.constant 0 : i32
    %dma_wait3A_305 = arith.constant 0 : i32
    %dma_wait3A_306 = tpu.memref_slice %dma_wait3A_303[%dma_wait3A_304, %dma_wait3A_305] : memref<10000x64xf32, #tpu.memory_space<hbm>> -> memref<10000x64xf32, #tpu.memory_space<hbm>>
    tpu.wait_indirect_dma semaphore(%arg15 : memref<!tpu.dma_semaphore, #tpu.memory_space<semaphore_mem>>) src(%dma_wait3A_306 : memref<10000x64xf32, #tpu.memory_space<hbm>>) dst(%dma_wait3A_296 : memref<125x64xf32, #tpu.memory_space<vmem>>)
    %dma_start3A_307 = arith.constant 4 : i32
    %dma_start3A_308 = arith.constant 159 : i32
    %dma_start3A_309 = arith.constant 0 : i32
    %dma_start3A_310 = arith.constant 0 : i32
    %dma_start3A_311 = tpu.memref_slice %arg8[%dma_start3A_307, %dma_start3A_309, %dma_start3A_310] : memref<5x125x64xf32, #tpu.memory_space<vmem>> -> memref<1x125x64xf32, #tpu.memory_space<vmem>>
    %dma_start3A_312 = tpu.memref_squeeze %dma_start3A_311 : memref<1x125x64xf32, #tpu.memory_space<vmem>> -> memref<125x64xf32, #tpu.memory_space<vmem>>
    %dma_start3A_313 = arith.constant 0 : i32
    %dma_start3A_314 = tpu.memref_slice %arg7[%dma_start3A_308, %dma_start3A_313] : memref<160x125xi32, #tpu.memory_space<vmem>> -> memref<1x125xi32, #tpu.memory_space<vmem>>
    %dma_start3A_315 = tpu.memref_squeeze %dma_start3A_314 : memref<1x125xi32, #tpu.memory_space<vmem>> -> memref<125xi32, #tpu.memory_space<vmem>>
    %dma_start3A_316 = arith.constant 0 : i32
    %dma_start3A_317 = arith.constant 0 : i32
    %dma_start3A_318 = tpu.memref_slice %arg10[%dma_start3A_316, %dma_start3A_317] : memref<10240x64xf32, #tpu.memory_space<vmem_shared>> -> memref<10240x64xf32, #tpu.memory_space<vmem_shared>>
    tpu.enqueue_indirect_dma source(%dma_start3A_312 : memref<125x64xf32, #tpu.memory_space<vmem>>) target(%dma_start3A_318 : memref<10240x64xf32, #tpu.memory_space<vmem_shared>>) offsets(%dma_start3A_315 : memref<125xi32, #tpu.memory_space<vmem>>) semaphore(%arg20 : memref<!tpu.dma_semaphore, #tpu.memory_space<semaphore_mem>>) {add = true}
    %dma_wait3A_319 = arith.constant 0 : i32
    %dma_wait3A_320 = arith.constant 155 : i32
    %dma_wait3A_321 = arith.constant 0 : i32
    %dma_wait3A_322 = arith.constant 0 : i32
    %dma_wait3A_323 = tpu.memref_slice %arg8[%dma_wait3A_319, %dma_wait3A_321, %dma_wait3A_322] : memref<5x125x64xf32, #tpu.memory_space<vmem>> -> memref<1x125x64xf32, #tpu.memory_space<vmem>>
    %dma_wait3A_324 = tpu.memref_squeeze %dma_wait3A_323 : memref<1x125x64xf32, #tpu.memory_space<vmem>> -> memref<125x64xf32, #tpu.memory_space<vmem>>
    %dma_wait3A_325 = arith.constant 0 : i32
    %dma_wait3A_326 = tpu.memref_slice %arg7[%dma_wait3A_320, %dma_wait3A_325] : memref<160x125xi32, #tpu.memory_space<vmem>> -> memref<1x125xi32, #tpu.memory_space<vmem>>
    %dma_wait3A_327 = tpu.memref_squeeze %dma_wait3A_326 : memref<1x125xi32, #tpu.memory_space<vmem>> -> memref<125xi32, #tpu.memory_space<vmem>>
    %dma_wait3A_328 = arith.constant 0 : i32
    %dma_wait3A_329 = arith.constant 0 : i32
    %dma_wait3A_330 = tpu.memref_slice %arg10[%dma_wait3A_328, %dma_wait3A_329] : memref<10240x64xf32, #tpu.memory_space<vmem_shared>> -> memref<10240x64xf32, #tpu.memory_space<vmem_shared>>
    tpu.wait_indirect_dma semaphore(%arg16 : memref<!tpu.dma_semaphore, #tpu.memory_space<semaphore_mem>>) src(%dma_wait3A_324 : memref<125x64xf32, #tpu.memory_space<vmem>>) dst(%dma_wait3A_330 : memref<10240x64xf32, #tpu.memory_space<vmem_shared>>)
    %dma_wait3A_331 = arith.constant 1 : i32
    %dma_wait3A_332 = arith.constant 156 : i32
    %dma_wait3A_333 = arith.constant 0 : i32
    %dma_wait3A_334 = arith.constant 0 : i32
    %dma_wait3A_335 = tpu.memref_slice %arg8[%dma_wait3A_331, %dma_wait3A_333, %dma_wait3A_334] : memref<5x125x64xf32, #tpu.memory_space<vmem>> -> memref<1x125x64xf32, #tpu.memory_space<vmem>>
    %dma_wait3A_336 = tpu.memref_squeeze %dma_wait3A_335 : memref<1x125x64xf32, #tpu.memory_space<vmem>> -> memref<125x64xf32, #tpu.memory_space<vmem>>
    %dma_wait3A_337 = arith.constant 0 : i32
    %dma_wait3A_338 = tpu.memref_slice %arg7[%dma_wait3A_332, %dma_wait3A_337] : memref<160x125xi32, #tpu.memory_space<vmem>> -> memref<1x125xi32, #tpu.memory_space<vmem>>
    %dma_wait3A_339 = tpu.memref_squeeze %dma_wait3A_338 : memref<1x125xi32, #tpu.memory_space<vmem>> -> memref<125xi32, #tpu.memory_space<vmem>>
    %dma_wait3A_340 = arith.constant 0 : i32
    %dma_wait3A_341 = arith.constant 0 : i32
    %dma_wait3A_342 = tpu.memref_slice %arg10[%dma_wait3A_340, %dma_wait3A_341] : memref<10240x64xf32, #tpu.memory_space<vmem_shared>> -> memref<10240x64xf32, #tpu.memory_space<vmem_shared>>
    tpu.wait_indirect_dma semaphore(%arg17 : memref<!tpu.dma_semaphore, #tpu.memory_space<semaphore_mem>>) src(%dma_wait3A_336 : memref<125x64xf32, #tpu.memory_space<vmem>>) dst(%dma_wait3A_342 : memref<10240x64xf32, #tpu.memory_space<vmem_shared>>)
    %dma_wait3A_343 = arith.constant 2 : i32
    %dma_wait3A_344 = arith.constant 157 : i32
    %dma_wait3A_345 = arith.constant 0 : i32
    %dma_wait3A_346 = arith.constant 0 : i32
    %dma_wait3A_347 = tpu.memref_slice %arg8[%dma_wait3A_343, %dma_wait3A_345, %dma_wait3A_346] : memref<5x125x64xf32, #tpu.memory_space<vmem>> -> memref<1x125x64xf32, #tpu.memory_space<vmem>>
    %dma_wait3A_348 = tpu.memref_squeeze %dma_wait3A_347 : memref<1x125x64xf32, #tpu.memory_space<vmem>> -> memref<125x64xf32, #tpu.memory_space<vmem>>
    %dma_wait3A_349 = arith.constant 0 : i32
    %dma_wait3A_350 = tpu.memref_slice %arg7[%dma_wait3A_344, %dma_wait3A_349] : memref<160x125xi32, #tpu.memory_space<vmem>> -> memref<1x125xi32, #tpu.memory_space<vmem>>
    %dma_wait3A_351 = tpu.memref_squeeze %dma_wait3A_350 : memref<1x125xi32, #tpu.memory_space<vmem>> -> memref<125xi32, #tpu.memory_space<vmem>>
    %dma_wait3A_352 = arith.constant 0 : i32
    %dma_wait3A_353 = arith.constant 0 : i32
    %dma_wait3A_354 = tpu.memref_slice %arg10[%dma_wait3A_352, %dma_wait3A_353] : memref<10240x64xf32, #tpu.memory_space<vmem_shared>> -> memref<10240x64xf32, #tpu.memory_space<vmem_shared>>
    tpu.wait_indirect_dma semaphore(%arg18 : memref<!tpu.dma_semaphore, #tpu.memory_space<semaphore_mem>>) src(%dma_wait3A_348 : memref<125x64xf32, #tpu.memory_space<vmem>>) dst(%dma_wait3A_354 : memref<10240x64xf32, #tpu.memory_space<vmem_shared>>)
    %dma_wait3A_355 = arith.constant 3 : i32
    %dma_wait3A_356 = arith.constant 158 : i32
    %dma_wait3A_357 = arith.constant 0 : i32
    %dma_wait3A_358 = arith.constant 0 : i32
    %dma_wait3A_359 = tpu.memref_slice %arg8[%dma_wait3A_355, %dma_wait3A_357, %dma_wait3A_358] : memref<5x125x64xf32, #tpu.memory_space<vmem>> -> memref<1x125x64xf32, #tpu.memory_space<vmem>>
    %dma_wait3A_360 = tpu.memref_squeeze %dma_wait3A_359 : memref<1x125x64xf32, #tpu.memory_space<vmem>> -> memref<125x64xf32, #tpu.memory_space<vmem>>
    %dma_wait3A_361 = arith.constant 0 : i32
    %dma_wait3A_362 = tpu.memref_slice %arg7[%dma_wait3A_356, %dma_wait3A_361] : memref<160x125xi32, #tpu.memory_space<vmem>> -> memref<1x125xi32, #tpu.memory_space<vmem>>
    %dma_wait3A_363 = tpu.memref_squeeze %dma_wait3A_362 : memref<1x125xi32, #tpu.memory_space<vmem>> -> memref<125xi32, #tpu.memory_space<vmem>>
    %dma_wait3A_364 = arith.constant 0 : i32
    %dma_wait3A_365 = arith.constant 0 : i32
    %dma_wait3A_366 = tpu.memref_slice %arg10[%dma_wait3A_364, %dma_wait3A_365] : memref<10240x64xf32, #tpu.memory_space<vmem_shared>> -> memref<10240x64xf32, #tpu.memory_space<vmem_shared>>
    tpu.wait_indirect_dma semaphore(%arg19 : memref<!tpu.dma_semaphore, #tpu.memory_space<semaphore_mem>>) src(%dma_wait3A_360 : memref<125x64xf32, #tpu.memory_space<vmem>>) dst(%dma_wait3A_366 : memref<10240x64xf32, #tpu.memory_space<vmem_shared>>)
    %dma_wait3A_367 = arith.constant 4 : i32
    %dma_wait3A_368 = arith.constant 159 : i32
    %dma_wait3A_369 = arith.constant 0 : i32
    %dma_wait3A_370 = arith.constant 0 : i32
    %dma_wait3A_371 = tpu.memref_slice %arg8[%dma_wait3A_367, %dma_wait3A_369, %dma_wait3A_370] : memref<5x125x64xf32, #tpu.memory_space<vmem>> -> memref<1x125x64xf32, #tpu.memory_space<vmem>>
    %dma_wait3A_372 = tpu.memref_squeeze %dma_wait3A_371 : memref<1x125x64xf32, #tpu.memory_space<vmem>> -> memref<125x64xf32, #tpu.memory_space<vmem>>
    %dma_wait3A_373 = arith.constant 0 : i32
    %dma_wait3A_374 = tpu.memref_slice %arg7[%dma_wait3A_368, %dma_wait3A_373] : memref<160x125xi32, #tpu.memory_space<vmem>> -> memref<1x125xi32, #tpu.memory_space<vmem>>
    %dma_wait3A_375 = tpu.memref_squeeze %dma_wait3A_374 : memref<1x125xi32, #tpu.memory_space<vmem>> -> memref<125xi32, #tpu.memory_space<vmem>>
    %dma_wait3A_376 = arith.constant 0 : i32
    %dma_wait3A_377 = arith.constant 0 : i32
    %dma_wait3A_378 = tpu.memref_slice %arg10[%dma_wait3A_376, %dma_wait3A_377] : memref<10240x64xf32, #tpu.memory_space<vmem_shared>> -> memref<10240x64xf32, #tpu.memory_space<vmem_shared>>
    tpu.wait_indirect_dma semaphore(%arg20 : memref<!tpu.dma_semaphore, #tpu.memory_space<semaphore_mem>>) src(%dma_wait3A_372 : memref<125x64xf32, #tpu.memory_space<vmem>>) dst(%dma_wait3A_378 : memref<10240x64xf32, #tpu.memory_space<vmem_shared>>)
    %barrier3A_379 = arith.constant 0 : index
    tpu.barrier barrier_id(%barrier3A_379)
    "tpu.region"() ({
      %run_scoped3A = tpu.sem_alloc : memref<!tpu.dma_semaphore, #tpu.memory_space<semaphore_mem>>
      %dma_start3A_380 = arith.constant 0 : i32
      %dma_start3A_381 = arith.constant 0 : i32
      %dma_start3A_382 = tpu.memref_slice %arg5[%arg0, %dma_start3A_380, %dma_start3A_381] : memref<2x10240x64xf32, #tpu.memory_space<hbm>> -> memref<1x10240x64xf32, #tpu.memory_space<hbm>>
      %dma_start3A_383 = tpu.memref_squeeze %dma_start3A_382 : memref<1x10240x64xf32, #tpu.memory_space<hbm>> -> memref<10240x64xf32, #tpu.memory_space<hbm>>
      %dma_start3A_384 = arith.constant 0 : i32
      %dma_start3A_385 = tpu.memref_slice %dma_start3A_383[%mul3A_0, %dma_start3A_384] : memref<10240x64xf32, #tpu.memory_space<hbm>> -> memref<640x64xf32, #tpu.memory_space<hbm>>
      %dma_start3A_386 = arith.constant 0 : i32
      %dma_start3A_387 = tpu.memref_slice %arg10[%mul3A_0, %dma_start3A_386] : memref<10240x64xf32, #tpu.memory_space<vmem_shared>> -> memref<640x64xf32, #tpu.memory_space<vmem_shared>>
      tpu.enqueue_dma source(%dma_start3A_387 : memref<640x64xf32, #tpu.memory_space<vmem_shared>>) target(%dma_start3A_385 : memref<640x64xf32, #tpu.memory_space<hbm>>) target_semaphore(%run_scoped3A : memref<!tpu.dma_semaphore, #tpu.memory_space<semaphore_mem>>)
      %dma_wait3A_388 = arith.constant 0 : i32
      %dma_wait3A_389 = arith.constant 0 : i32
      %dma_wait3A_390 = tpu.memref_slice %arg5[%arg0, %dma_wait3A_388, %dma_wait3A_389] : memref<2x10240x64xf32, #tpu.memory_space<hbm>> -> memref<1x10240x64xf32, #tpu.memory_space<hbm>>
      %dma_wait3A_391 = tpu.memref_squeeze %dma_wait3A_390 : memref<1x10240x64xf32, #tpu.memory_space<hbm>> -> memref<10240x64xf32, #tpu.memory_space<hbm>>
      %dma_wait3A_392 = arith.constant 0 : i32
      %dma_wait3A_393 = tpu.memref_slice %dma_wait3A_391[%mul3A_0, %dma_wait3A_392] : memref<10240x64xf32, #tpu.memory_space<hbm>> -> memref<640x64xf32, #tpu.memory_space<hbm>>
      %dma_wait3A_394 = arith.constant 0 : i32
      %dma_wait3A_395 = tpu.memref_slice %arg10[%mul3A_0, %dma_wait3A_394] : memref<10240x64xf32, #tpu.memory_space<vmem_shared>> -> memref<640x64xf32, #tpu.memory_space<vmem_shared>>
      tpu.wait_dma2 semaphore(%run_scoped3A : memref<!tpu.dma_semaphore, #tpu.memory_space<semaphore_mem>>) src(%dma_wait3A_395 : memref<640x64xf32, #tpu.memory_space<vmem_shared>>) dst(%dma_wait3A_393 : memref<640x64xf32, #tpu.memory_space<hbm>>)
      tpu.yield
    }) : () -> ()
    return
  }
}

#map = affine_map<(d0, d1) -> (0, 0, 0)>
module attributes {stable_mosaic.version = 14 : i64} {
  func.func @k(%arg0: i32, %arg1: i32, %arg2: memref<32x80x125xi32, #tpu.memory_space<hbm>>, %arg3: memref<2x10240x16xf32, #tpu.memory_space<hbm>>, %arg4: memref<80x125xi32, #tpu.memory_space<vmem>>, %arg5: memref<125x16xf32, #tpu.memory_space<vmem>>, %arg6: memref<128x16xf32, #tpu.memory_space<vmem>>, %arg7: memref<10240x16xf32, #tpu.memory_space<vmem_shared>>, %arg8: memref<!tpu.dma_semaphore, #tpu.memory_space<semaphore_mem>>) attributes {dimension_semantics = [#tpu.dimension_semantics<core_parallel>, #tpu.dimension_semantics<subcore_parallel>], iteration_bounds = array<i64: 2, 16>, scalar_prefetch = 0 : i64, scratch_operands = 5 : i64, tpu.core_type = #tpu.core_type<sc_vector_subcore>, window_params = [{transform_indices = #map}, {transform_indices = #map}]} {
    %mul3A = arith.constant 16 : i32
    %mul3A_0 = arith.muli %arg0, %mul3A : i32
    %add3A = arith.addi %mul3A_0, %arg1 : i32
    %mul3A_1 = arith.constant 640 : i32
    %mul3A_2 = arith.muli %arg1, %mul3A_1 : i32
    %dma_start3A = arith.constant 0 : i32
    %dma_start3A_3 = arith.constant 0 : i32
    %dma_start3A_4 = tpu.memref_slice %arg2[%add3A, %dma_start3A, %dma_start3A_3] : memref<32x80x125xi32, #tpu.memory_space<hbm>> -> memref<1x80x125xi32, #tpu.memory_space<hbm>>
    %dma_start3A_5 = tpu.memref_squeeze %dma_start3A_4 : memref<1x80x125xi32, #tpu.memory_space<hbm>> -> memref<80x125xi32, #tpu.memory_space<hbm>>
    %dma_start3A_6 = arith.constant 0 : i32
    %dma_start3A_7 = arith.constant 0 : i32
    %dma_start3A_8 = tpu.memref_slice %arg2[%add3A, %dma_start3A_6, %dma_start3A_7] : memref<32x80x125xi32, #tpu.memory_space<hbm>> -> memref<1x80x125xi32, #tpu.memory_space<hbm>>
    %dma_start3A_9 = tpu.memref_squeeze %dma_start3A_8 : memref<1x80x125xi32, #tpu.memory_space<hbm>> -> memref<80x125xi32, #tpu.memory_space<hbm>>
    tpu.enqueue_dma source(%dma_start3A_9 : memref<80x125xi32, #tpu.memory_space<hbm>>) target(%arg4 : memref<80x125xi32, #tpu.memory_space<vmem>>) target_semaphore(%arg8 : memref<!tpu.dma_semaphore, #tpu.memory_space<semaphore_mem>>)
    %scan3A = arith.constant 0 : i32
    %scan3A_10 = arith.constant 125 : i32
    %scan3A_11 = arith.addi %scan3A, %scan3A_10 : i32
    %scan3A_12 = arith.constant 1 : i32
    scf.for %scan3A_92 = %scan3A to %scan3A_11 step %scan3A_12  : i32 {
      %mul3A_93 = arith.constant 1 : i32
      %mul3A_94 = arith.muli %scan3A_92, %mul3A_93 : i32
      %add3A_95 = arith.constant 0 : i32
      %add3A_96 = arith.addi %add3A_95, %mul3A_94 : i32
      %broadcast_in_dim3A = arith.constant 1.000000e+00 : f32
      %broadcast_in_dim3A_97 = vector.broadcast %broadcast_in_dim3A : f32 to vector<16xf32>
      %swap3A = arith.index_cast %add3A_96 : i32 to index
      %swap3A_98 = arith.constant 0 : index
      %swap3A_99 = tpu.vector_load %arg5[%swap3A, %swap3A_98] {strides = array<i32>} : memref<125x16xf32, #tpu.memory_space<vmem>>, vector<1x16xf32>,
      %swap3A_100 = vector.shape_cast %swap3A_99 : vector<1x16xf32> to vector<16xf32>
      %swap3A_101 = vector.shape_cast %broadcast_in_dim3A_97 : vector<16xf32> to vector<1x16xf32>
      tpu.vector_store %arg5[%swap3A, %swap3A_98], %swap3A_101 {strides = array<i32>} : memref<125x16xf32, #tpu.memory_space<vmem>>, vector<1x16xf32>,
    }
    %scan3A_13 = arith.constant 125 : i32
    %scan3A_14 = arith.constant 0 : i32
    %scan3A_15 = arith.constant 128 : i32
    %scan3A_16 = arith.addi %scan3A_14, %scan3A_15 : i32
    %scan3A_17 = arith.constant 1 : i32
    scf.for %scan3A_92 = %scan3A_14 to %scan3A_16 step %scan3A_17  : i32 {
      %mul3A_93 = arith.constant 1 : i32
      %mul3A_94 = arith.muli %scan3A_92, %mul3A_93 : i32
      %add3A_95 = arith.constant 0 : i32
      %add3A_96 = arith.addi %add3A_95, %mul3A_94 : i32
      %broadcast_in_dim3A = arith.constant 0.000000e+00 : f32
      %broadcast_in_dim3A_97 = vector.broadcast %broadcast_in_dim3A : f32 to vector<16xf32>
      %swap3A = arith.index_cast %add3A_96 : i32 to index
      %swap3A_98 = arith.constant 0 : index
      %swap3A_99 = tpu.vector_load %arg6[%swap3A, %swap3A_98] {strides = array<i32>} : memref<128x16xf32, #tpu.memory_space<vmem>>, vector<1x16xf32>,
      %swap3A_100 = vector.shape_cast %swap3A_99 : vector<1x16xf32> to vector<16xf32>
      %swap3A_101 = vector.shape_cast %broadcast_in_dim3A_97 : vector<16xf32> to vector<1x16xf32>
      tpu.vector_store %arg6[%swap3A, %swap3A_98], %swap3A_101 {strides = array<i32>} : memref<128x16xf32, #tpu.memory_space<vmem>>, vector<1x16xf32>,
    }
    %scan3A_18 = arith.constant 128 : i32
    %add3A_19 = arith.constant 0 : i32
    %add3A_20 = arith.addi %mul3A_2, %add3A_19 : i32
    %dma_start3A_21 = arith.constant 0 : i32
    %dma_start3A_22 = tpu.memref_slice %arg7[%add3A_20, %dma_start3A_21] : memref<10240x16xf32, #tpu.memory_space<vmem_shared>> -> memref<128x16xf32, #tpu.memory_space<vmem_shared>>
    %dma_start3A_23 = arith.constant 0 : i32
    %dma_start3A_24 = tpu.memref_slice %arg7[%add3A_20, %dma_start3A_23] : memref<10240x16xf32, #tpu.memory_space<vmem_shared>> -> memref<128x16xf32, #tpu.memory_space<vmem_shared>>
    tpu.enqueue_dma source(%arg6 : memref<128x16xf32, #tpu.memory_space<vmem>>) target(%dma_start3A_24 : memref<128x16xf32, #tpu.memory_space<vmem_shared>>) target_semaphore(%arg8 : memref<!tpu.dma_semaphore, #tpu.memory_space<semaphore_mem>>)
    %add3A_25 = arith.constant 128 : i32
    %add3A_26 = arith.addi %mul3A_2, %add3A_25 : i32
    %dma_start3A_27 = arith.constant 0 : i32
    %dma_start3A_28 = tpu.memref_slice %arg7[%add3A_26, %dma_start3A_27] : memref<10240x16xf32, #tpu.memory_space<vmem_shared>> -> memref<128x16xf32, #tpu.memory_space<vmem_shared>>
    %dma_start3A_29 = arith.constant 0 : i32
    %dma_start3A_30 = tpu.memref_slice %arg7[%add3A_26, %dma_start3A_29] : memref<10240x16xf32, #tpu.memory_space<vmem_shared>> -> memref<128x16xf32, #tpu.memory_space<vmem_shared>>
    tpu.enqueue_dma source(%arg6 : memref<128x16xf32, #tpu.memory_space<vmem>>) target(%dma_start3A_30 : memref<128x16xf32, #tpu.memory_space<vmem_shared>>) target_semaphore(%arg8 : memref<!tpu.dma_semaphore, #tpu.memory_space<semaphore_mem>>)
    %add3A_31 = arith.constant 256 : i32
    %add3A_32 = arith.addi %mul3A_2, %add3A_31 : i32
    %dma_start3A_33 = arith.constant 0 : i32
    %dma_start3A_34 = tpu.memref_slice %arg7[%add3A_32, %dma_start3A_33] : memref<10240x16xf32, #tpu.memory_space<vmem_shared>> -> memref<128x16xf32, #tpu.memory_space<vmem_shared>>
    %dma_start3A_35 = arith.constant 0 : i32
    %dma_start3A_36 = tpu.memref_slice %arg7[%add3A_32, %dma_start3A_35] : memref<10240x16xf32, #tpu.memory_space<vmem_shared>> -> memref<128x16xf32, #tpu.memory_space<vmem_shared>>
    tpu.enqueue_dma source(%arg6 : memref<128x16xf32, #tpu.memory_space<vmem>>) target(%dma_start3A_36 : memref<128x16xf32, #tpu.memory_space<vmem_shared>>) target_semaphore(%arg8 : memref<!tpu.dma_semaphore, #tpu.memory_space<semaphore_mem>>)
    %add3A_37 = arith.constant 384 : i32
    %add3A_38 = arith.addi %mul3A_2, %add3A_37 : i32
    %dma_start3A_39 = arith.constant 0 : i32
    %dma_start3A_40 = tpu.memref_slice %arg7[%add3A_38, %dma_start3A_39] : memref<10240x16xf32, #tpu.memory_space<vmem_shared>> -> memref<128x16xf32, #tpu.memory_space<vmem_shared>>
    %dma_start3A_41 = arith.constant 0 : i32
    %dma_start3A_42 = tpu.memref_slice %arg7[%add3A_38, %dma_start3A_41] : memref<10240x16xf32, #tpu.memory_space<vmem_shared>> -> memref<128x16xf32, #tpu.memory_space<vmem_shared>>
    tpu.enqueue_dma source(%arg6 : memref<128x16xf32, #tpu.memory_space<vmem>>) target(%dma_start3A_42 : memref<128x16xf32, #tpu.memory_space<vmem_shared>>) target_semaphore(%arg8 : memref<!tpu.dma_semaphore, #tpu.memory_space<semaphore_mem>>)
    %add3A_43 = arith.constant 512 : i32
    %add3A_44 = arith.addi %mul3A_2, %add3A_43 : i32
    %dma_start3A_45 = arith.constant 0 : i32
    %dma_start3A_46 = tpu.memref_slice %arg7[%add3A_44, %dma_start3A_45] : memref<10240x16xf32, #tpu.memory_space<vmem_shared>> -> memref<128x16xf32, #tpu.memory_space<vmem_shared>>
    %dma_start3A_47 = arith.constant 0 : i32
    %dma_start3A_48 = tpu.memref_slice %arg7[%add3A_44, %dma_start3A_47] : memref<10240x16xf32, #tpu.memory_space<vmem_shared>> -> memref<128x16xf32, #tpu.memory_space<vmem_shared>>
    tpu.enqueue_dma source(%arg6 : memref<128x16xf32, #tpu.memory_space<vmem>>) target(%dma_start3A_48 : memref<128x16xf32, #tpu.memory_space<vmem_shared>>) target_semaphore(%arg8 : memref<!tpu.dma_semaphore, #tpu.memory_space<semaphore_mem>>)
    %dma_wait3A = arith.constant 0 : i32
    %dma_wait3A_49 = arith.constant 0 : i32
    %dma_wait3A_50 = tpu.memref_slice %arg2[%add3A, %dma_wait3A, %dma_wait3A_49] : memref<32x80x125xi32, #tpu.memory_space<hbm>> -> memref<1x80x125xi32, #tpu.memory_space<hbm>>
    %dma_wait3A_51 = tpu.memref_squeeze %dma_wait3A_50 : memref<1x80x125xi32, #tpu.memory_space<hbm>> -> memref<80x125xi32, #tpu.memory_space<hbm>>
    %dma_wait3A_52 = arith.constant 0 : i32
    %dma_wait3A_53 = arith.constant 0 : i32
    %dma_wait3A_54 = tpu.memref_slice %arg2[%add3A, %dma_wait3A_52, %dma_wait3A_53] : memref<32x80x125xi32, #tpu.memory_space<hbm>> -> memref<1x80x125xi32, #tpu.memory_space<hbm>>
    %dma_wait3A_55 = tpu.memref_squeeze %dma_wait3A_54 : memref<1x80x125xi32, #tpu.memory_space<hbm>> -> memref<80x125xi32, #tpu.memory_space<hbm>>
    tpu.wait_dma2 semaphore(%arg8 : memref<!tpu.dma_semaphore, #tpu.memory_space<semaphore_mem>>) src(%dma_wait3A_55 : memref<80x125xi32, #tpu.memory_space<hbm>>) dst(%arg4 : memref<80x125xi32, #tpu.memory_space<vmem>>)
    %add3A_56 = arith.constant 0 : i32
    %add3A_57 = arith.addi %mul3A_2, %add3A_56 : i32
    %dma_wait3A_58 = arith.constant 0 : i32
    %dma_wait3A_59 = tpu.memref_slice %arg7[%add3A_57, %dma_wait3A_58] : memref<10240x16xf32, #tpu.memory_space<vmem_shared>> -> memref<128x16xf32, #tpu.memory_space<vmem_shared>>
    %dma_wait3A_60 = arith.constant 0 : i32
    %dma_wait3A_61 = tpu.memref_slice %arg7[%add3A_57, %dma_wait3A_60] : memref<10240x16xf32, #tpu.memory_space<vmem_shared>> -> memref<128x16xf32, #tpu.memory_space<vmem_shared>>
    tpu.wait_dma2 semaphore(%arg8 : memref<!tpu.dma_semaphore, #tpu.memory_space<semaphore_mem>>) src(%arg6 : memref<128x16xf32, #tpu.memory_space<vmem>>) dst(%dma_wait3A_61 : memref<128x16xf32, #tpu.memory_space<vmem_shared>>)
    %add3A_62 = arith.constant 128 : i32
    %add3A_63 = arith.addi %mul3A_2, %add3A_62 : i32
    %dma_wait3A_64 = arith.constant 0 : i32
    %dma_wait3A_65 = tpu.memref_slice %arg7[%add3A_63, %dma_wait3A_64] : memref<10240x16xf32, #tpu.memory_space<vmem_shared>> -> memref<128x16xf32, #tpu.memory_space<vmem_shared>>
    %dma_wait3A_66 = arith.constant 0 : i32
    %dma_wait3A_67 = tpu.memref_slice %arg7[%add3A_63, %dma_wait3A_66] : memref<10240x16xf32, #tpu.memory_space<vmem_shared>> -> memref<128x16xf32, #tpu.memory_space<vmem_shared>>
    tpu.wait_dma2 semaphore(%arg8 : memref<!tpu.dma_semaphore, #tpu.memory_space<semaphore_mem>>) src(%arg6 : memref<128x16xf32, #tpu.memory_space<vmem>>) dst(%dma_wait3A_67 : memref<128x16xf32, #tpu.memory_space<vmem_shared>>)
    %add3A_68 = arith.constant 256 : i32
    %add3A_69 = arith.addi %mul3A_2, %add3A_68 : i32
    %dma_wait3A_70 = arith.constant 0 : i32
    %dma_wait3A_71 = tpu.memref_slice %arg7[%add3A_69, %dma_wait3A_70] : memref<10240x16xf32, #tpu.memory_space<vmem_shared>> -> memref<128x16xf32, #tpu.memory_space<vmem_shared>>
    %dma_wait3A_72 = arith.constant 0 : i32
    %dma_wait3A_73 = tpu.memref_slice %arg7[%add3A_69, %dma_wait3A_72] : memref<10240x16xf32, #tpu.memory_space<vmem_shared>> -> memref<128x16xf32, #tpu.memory_space<vmem_shared>>
    tpu.wait_dma2 semaphore(%arg8 : memref<!tpu.dma_semaphore, #tpu.memory_space<semaphore_mem>>) src(%arg6 : memref<128x16xf32, #tpu.memory_space<vmem>>) dst(%dma_wait3A_73 : memref<128x16xf32, #tpu.memory_space<vmem_shared>>)
    %add3A_74 = arith.constant 384 : i32
    %add3A_75 = arith.addi %mul3A_2, %add3A_74 : i32
    %dma_wait3A_76 = arith.constant 0 : i32
    %dma_wait3A_77 = tpu.memref_slice %arg7[%add3A_75, %dma_wait3A_76] : memref<10240x16xf32, #tpu.memory_space<vmem_shared>> -> memref<128x16xf32, #tpu.memory_space<vmem_shared>>
    %dma_wait3A_78 = arith.constant 0 : i32
    %dma_wait3A_79 = tpu.memref_slice %arg7[%add3A_75, %dma_wait3A_78] : memref<10240x16xf32, #tpu.memory_space<vmem_shared>> -> memref<128x16xf32, #tpu.memory_space<vmem_shared>>
    tpu.wait_dma2 semaphore(%arg8 : memref<!tpu.dma_semaphore, #tpu.memory_space<semaphore_mem>>) src(%arg6 : memref<128x16xf32, #tpu.memory_space<vmem>>) dst(%dma_wait3A_79 : memref<128x16xf32, #tpu.memory_space<vmem_shared>>)
    %add3A_80 = arith.constant 512 : i32
    %add3A_81 = arith.addi %mul3A_2, %add3A_80 : i32
    %dma_wait3A_82 = arith.constant 0 : i32
    %dma_wait3A_83 = tpu.memref_slice %arg7[%add3A_81, %dma_wait3A_82] : memref<10240x16xf32, #tpu.memory_space<vmem_shared>> -> memref<128x16xf32, #tpu.memory_space<vmem_shared>>
    %dma_wait3A_84 = arith.constant 0 : i32
    %dma_wait3A_85 = tpu.memref_slice %arg7[%add3A_81, %dma_wait3A_84] : memref<10240x16xf32, #tpu.memory_space<vmem_shared>> -> memref<128x16xf32, #tpu.memory_space<vmem_shared>>
    tpu.wait_dma2 semaphore(%arg8 : memref<!tpu.dma_semaphore, #tpu.memory_space<semaphore_mem>>) src(%arg6 : memref<128x16xf32, #tpu.memory_space<vmem>>) dst(%dma_wait3A_85 : memref<128x16xf32, #tpu.memory_space<vmem_shared>>)
    %barrier3A = arith.constant 0 : index
    tpu.barrier barrier_id(%barrier3A)
    %scan3A_86 = arith.constant 0 : i32
    %scan3A_87 = arith.constant 16 : i32
    %scan3A_88 = arith.addi %scan3A_86, %scan3A_87 : i32
    %scan3A_89 = arith.constant 1 : i32
    scf.for %scan3A_92 = %scan3A_86 to %scan3A_88 step %scan3A_89  : i32 {
      %mul3A_93 = arith.constant 5 : i32
      %mul3A_94 = arith.muli %scan3A_92, %mul3A_93 : i32
      %add3A_95 = arith.constant 0 : i32
      %add3A_96 = arith.addi %add3A_95, %mul3A_94 : i32
      %add3A_97 = arith.constant 0 : i32
      %add3A_98 = arith.addi %add3A_96, %add3A_97 : i32
      %dma_start3A_99 = arith.constant 0 : i32
      %dma_start3A_100 = tpu.memref_slice %arg4[%add3A_98, %dma_start3A_99] : memref<80x125xi32, #tpu.memory_space<vmem>> -> memref<1x125xi32, #tpu.memory_space<vmem>>
      %dma_start3A_101 = tpu.memref_squeeze %dma_start3A_100 : memref<1x125xi32, #tpu.memory_space<vmem>> -> memref<125xi32, #tpu.memory_space<vmem>>
      %dma_start3A_102 = arith.constant 0 : i32
      %dma_start3A_103 = arith.constant 0 : i32
      %dma_start3A_104 = tpu.memref_slice %arg7[%dma_start3A_102, %dma_start3A_103] : memref<10240x16xf32, #tpu.memory_space<vmem_shared>> -> memref<10240x16xf32, #tpu.memory_space<vmem_shared>>
      tpu.enqueue_indirect_dma source(%arg5 : memref<125x16xf32, #tpu.memory_space<vmem>>) target(%dma_start3A_104 : memref<10240x16xf32, #tpu.memory_space<vmem_shared>>) offsets(%dma_start3A_101 : memref<125xi32, #tpu.memory_space<vmem>>) semaphore(%arg8 : memref<!tpu.dma_semaphore, #tpu.memory_space<semaphore_mem>>) {add = true}
      %add3A_105 = arith.constant 1 : i32
      %add3A_106 = arith.addi %add3A_96, %add3A_105 : i32
      %dma_start3A_107 = arith.constant 0 : i32
      %dma_start3A_108 = tpu.memref_slice %arg4[%add3A_106, %dma_start3A_107] : memref<80x125xi32, #tpu.memory_space<vmem>> -> memref<1x125xi32, #tpu.memory_space<vmem>>
      %dma_start3A_109 = tpu.memref_squeeze %dma_start3A_108 : memref<1x125xi32, #tpu.memory_space<vmem>> -> memref<125xi32, #tpu.memory_space<vmem>>
      %dma_start3A_110 = arith.constant 0 : i32
      %dma_start3A_111 = arith.constant 0 : i32
      %dma_start3A_112 = tpu.memref_slice %arg7[%dma_start3A_110, %dma_start3A_111] : memref<10240x16xf32, #tpu.memory_space<vmem_shared>> -> memref<10240x16xf32, #tpu.memory_space<vmem_shared>>
      tpu.enqueue_indirect_dma source(%arg5 : memref<125x16xf32, #tpu.memory_space<vmem>>) target(%dma_start3A_112 : memref<10240x16xf32, #tpu.memory_space<vmem_shared>>) offsets(%dma_start3A_109 : memref<125xi32, #tpu.memory_space<vmem>>) semaphore(%arg8 : memref<!tpu.dma_semaphore, #tpu.memory_space<semaphore_mem>>) {add = true}
      %add3A_113 = arith.constant 2 : i32
      %add3A_114 = arith.addi %add3A_96, %add3A_113 : i32
      %dma_start3A_115 = arith.constant 0 : i32
      %dma_start3A_116 = tpu.memref_slice %arg4[%add3A_114, %dma_start3A_115] : memref<80x125xi32, #tpu.memory_space<vmem>> -> memref<1x125xi32, #tpu.memory_space<vmem>>
      %dma_start3A_117 = tpu.memref_squeeze %dma_start3A_116 : memref<1x125xi32, #tpu.memory_space<vmem>> -> memref<125xi32, #tpu.memory_space<vmem>>
      %dma_start3A_118 = arith.constant 0 : i32
      %dma_start3A_119 = arith.constant 0 : i32
      %dma_start3A_120 = tpu.memref_slice %arg7[%dma_start3A_118, %dma_start3A_119] : memref<10240x16xf32, #tpu.memory_space<vmem_shared>> -> memref<10240x16xf32, #tpu.memory_space<vmem_shared>>
      tpu.enqueue_indirect_dma source(%arg5 : memref<125x16xf32, #tpu.memory_space<vmem>>) target(%dma_start3A_120 : memref<10240x16xf32, #tpu.memory_space<vmem_shared>>) offsets(%dma_start3A_117 : memref<125xi32, #tpu.memory_space<vmem>>) semaphore(%arg8 : memref<!tpu.dma_semaphore, #tpu.memory_space<semaphore_mem>>) {add = true}
      %add3A_121 = arith.constant 3 : i32
      %add3A_122 = arith.addi %add3A_96, %add3A_121 : i32
      %dma_start3A_123 = arith.constant 0 : i32
      %dma_start3A_124 = tpu.memref_slice %arg4[%add3A_122, %dma_start3A_123] : memref<80x125xi32, #tpu.memory_space<vmem>> -> memref<1x125xi32, #tpu.memory_space<vmem>>
      %dma_start3A_125 = tpu.memref_squeeze %dma_start3A_124 : memref<1x125xi32, #tpu.memory_space<vmem>> -> memref<125xi32, #tpu.memory_space<vmem>>
      %dma_start3A_126 = arith.constant 0 : i32
      %dma_start3A_127 = arith.constant 0 : i32
      %dma_start3A_128 = tpu.memref_slice %arg7[%dma_start3A_126, %dma_start3A_127] : memref<10240x16xf32, #tpu.memory_space<vmem_shared>> -> memref<10240x16xf32, #tpu.memory_space<vmem_shared>>
      tpu.enqueue_indirect_dma source(%arg5 : memref<125x16xf32, #tpu.memory_space<vmem>>) target(%dma_start3A_128 : memref<10240x16xf32, #tpu.memory_space<vmem_shared>>) offsets(%dma_start3A_125 : memref<125xi32, #tpu.memory_space<vmem>>) semaphore(%arg8 : memref<!tpu.dma_semaphore, #tpu.memory_space<semaphore_mem>>) {add = true}
      %add3A_129 = arith.constant 4 : i32
      %add3A_130 = arith.addi %add3A_96, %add3A_129 : i32
      %dma_start3A_131 = arith.constant 0 : i32
      %dma_start3A_132 = tpu.memref_slice %arg4[%add3A_130, %dma_start3A_131] : memref<80x125xi32, #tpu.memory_space<vmem>> -> memref<1x125xi32, #tpu.memory_space<vmem>>
      %dma_start3A_133 = tpu.memref_squeeze %dma_start3A_132 : memref<1x125xi32, #tpu.memory_space<vmem>> -> memref<125xi32, #tpu.memory_space<vmem>>
      %dma_start3A_134 = arith.constant 0 : i32
      %dma_start3A_135 = arith.constant 0 : i32
      %dma_start3A_136 = tpu.memref_slice %arg7[%dma_start3A_134, %dma_start3A_135] : memref<10240x16xf32, #tpu.memory_space<vmem_shared>> -> memref<10240x16xf32, #tpu.memory_space<vmem_shared>>
      tpu.enqueue_indirect_dma source(%arg5 : memref<125x16xf32, #tpu.memory_space<vmem>>) target(%dma_start3A_136 : memref<10240x16xf32, #tpu.memory_space<vmem_shared>>) offsets(%dma_start3A_133 : memref<125xi32, #tpu.memory_space<vmem>>) semaphore(%arg8 : memref<!tpu.dma_semaphore, #tpu.memory_space<semaphore_mem>>) {add = true}
      %add3A_137 = arith.constant 0 : i32
      %add3A_138 = arith.addi %add3A_96, %add3A_137 : i32
      %dma_wait3A_139 = arith.constant 0 : i32
      %dma_wait3A_140 = tpu.memref_slice %arg4[%add3A_138, %dma_wait3A_139] : memref<80x125xi32, #tpu.memory_space<vmem>> -> memref<1x125xi32, #tpu.memory_space<vmem>>
      %dma_wait3A_141 = tpu.memref_squeeze %dma_wait3A_140 : memref<1x125xi32, #tpu.memory_space<vmem>> -> memref<125xi32, #tpu.memory_space<vmem>>
      %dma_wait3A_142 = arith.constant 0 : i32
      %dma_wait3A_143 = arith.constant 0 : i32
      %dma_wait3A_144 = tpu.memref_slice %arg7[%dma_wait3A_142, %dma_wait3A_143] : memref<10240x16xf32, #tpu.memory_space<vmem_shared>> -> memref<10240x16xf32, #tpu.memory_space<vmem_shared>>
      tpu.wait_indirect_dma semaphore(%arg8 : memref<!tpu.dma_semaphore, #tpu.memory_space<semaphore_mem>>) src(%arg5 : memref<125x16xf32, #tpu.memory_space<vmem>>) dst(%dma_wait3A_144 : memref<10240x16xf32, #tpu.memory_space<vmem_shared>>)
      %add3A_145 = arith.constant 1 : i32
      %add3A_146 = arith.addi %add3A_96, %add3A_145 : i32
      %dma_wait3A_147 = arith.constant 0 : i32
      %dma_wait3A_148 = tpu.memref_slice %arg4[%add3A_146, %dma_wait3A_147] : memref<80x125xi32, #tpu.memory_space<vmem>> -> memref<1x125xi32, #tpu.memory_space<vmem>>
      %dma_wait3A_149 = tpu.memref_squeeze %dma_wait3A_148 : memref<1x125xi32, #tpu.memory_space<vmem>> -> memref<125xi32, #tpu.memory_space<vmem>>
      %dma_wait3A_150 = arith.constant 0 : i32
      %dma_wait3A_151 = arith.constant 0 : i32
      %dma_wait3A_152 = tpu.memref_slice %arg7[%dma_wait3A_150, %dma_wait3A_151] : memref<10240x16xf32, #tpu.memory_space<vmem_shared>> -> memref<10240x16xf32, #tpu.memory_space<vmem_shared>>
      tpu.wait_indirect_dma semaphore(%arg8 : memref<!tpu.dma_semaphore, #tpu.memory_space<semaphore_mem>>) src(%arg5 : memref<125x16xf32, #tpu.memory_space<vmem>>) dst(%dma_wait3A_152 : memref<10240x16xf32, #tpu.memory_space<vmem_shared>>)
      %add3A_153 = arith.constant 2 : i32
      %add3A_154 = arith.addi %add3A_96, %add3A_153 : i32
      %dma_wait3A_155 = arith.constant 0 : i32
      %dma_wait3A_156 = tpu.memref_slice %arg4[%add3A_154, %dma_wait3A_155] : memref<80x125xi32, #tpu.memory_space<vmem>> -> memref<1x125xi32, #tpu.memory_space<vmem>>
      %dma_wait3A_157 = tpu.memref_squeeze %dma_wait3A_156 : memref<1x125xi32, #tpu.memory_space<vmem>> -> memref<125xi32, #tpu.memory_space<vmem>>
      %dma_wait3A_158 = arith.constant 0 : i32
      %dma_wait3A_159 = arith.constant 0 : i32
      %dma_wait3A_160 = tpu.memref_slice %arg7[%dma_wait3A_158, %dma_wait3A_159] : memref<10240x16xf32, #tpu.memory_space<vmem_shared>> -> memref<10240x16xf32, #tpu.memory_space<vmem_shared>>
      tpu.wait_indirect_dma semaphore(%arg8 : memref<!tpu.dma_semaphore, #tpu.memory_space<semaphore_mem>>) src(%arg5 : memref<125x16xf32, #tpu.memory_space<vmem>>) dst(%dma_wait3A_160 : memref<10240x16xf32, #tpu.memory_space<vmem_shared>>)
      %add3A_161 = arith.constant 3 : i32
      %add3A_162 = arith.addi %add3A_96, %add3A_161 : i32
      %dma_wait3A_163 = arith.constant 0 : i32
      %dma_wait3A_164 = tpu.memref_slice %arg4[%add3A_162, %dma_wait3A_163] : memref<80x125xi32, #tpu.memory_space<vmem>> -> memref<1x125xi32, #tpu.memory_space<vmem>>
      %dma_wait3A_165 = tpu.memref_squeeze %dma_wait3A_164 : memref<1x125xi32, #tpu.memory_space<vmem>> -> memref<125xi32, #tpu.memory_space<vmem>>
      %dma_wait3A_166 = arith.constant 0 : i32
      %dma_wait3A_167 = arith.constant 0 : i32
      %dma_wait3A_168 = tpu.memref_slice %arg7[%dma_wait3A_166, %dma_wait3A_167] : memref<10240x16xf32, #tpu.memory_space<vmem_shared>> -> memref<10240x16xf32, #tpu.memory_space<vmem_shared>>
      tpu.wait_indirect_dma semaphore(%arg8 : memref<!tpu.dma_semaphore, #tpu.memory_space<semaphore_mem>>) src(%arg5 : memref<125x16xf32, #tpu.memory_space<vmem>>) dst(%dma_wait3A_168 : memref<10240x16xf32, #tpu.memory_space<vmem_shared>>)
      %add3A_169 = arith.constant 4 : i32
      %add3A_170 = arith.addi %add3A_96, %add3A_169 : i32
      %dma_wait3A_171 = arith.constant 0 : i32
      %dma_wait3A_172 = tpu.memref_slice %arg4[%add3A_170, %dma_wait3A_171] : memref<80x125xi32, #tpu.memory_space<vmem>> -> memref<1x125xi32, #tpu.memory_space<vmem>>
      %dma_wait3A_173 = tpu.memref_squeeze %dma_wait3A_172 : memref<1x125xi32, #tpu.memory_space<vmem>> -> memref<125xi32, #tpu.memory_space<vmem>>
      %dma_wait3A_174 = arith.constant 0 : i32
      %dma_wait3A_175 = arith.constant 0 : i32
      %dma_wait3A_176 = tpu.memref_slice %arg7[%dma_wait3A_174, %dma_wait3A_175] : memref<10240x16xf32, #tpu.memory_space<vmem_shared>> -> memref<10240x16xf32, #tpu.memory_space<vmem_shared>>
      tpu.wait_indirect_dma semaphore(%arg8 : memref<!tpu.dma_semaphore, #tpu.memory_space<semaphore_mem>>) src(%arg5 : memref<125x16xf32, #tpu.memory_space<vmem>>) dst(%dma_wait3A_176 : memref<10240x16xf32, #tpu.memory_space<vmem_shared>>)
    }
    %scan3A_90 = arith.constant 16 : i32
    %barrier3A_91 = arith.constant 0 : index
    tpu.barrier barrier_id(%barrier3A_91)
    "tpu.region"() ({
      %run_scoped3A = tpu.sem_alloc : memref<!tpu.dma_semaphore, #tpu.memory_space<semaphore_mem>>
      %dma_start3A_92 = arith.constant 0 : i32
      %dma_start3A_93 = arith.constant 0 : i32
      %dma_start3A_94 = tpu.memref_slice %arg3[%arg0, %dma_start3A_92, %dma_start3A_93] : memref<2x10240x16xf32, #tpu.memory_space<hbm>> -> memref<1x10240x16xf32, #tpu.memory_space<hbm>>
      %dma_start3A_95 = tpu.memref_squeeze %dma_start3A_94 : memref<1x10240x16xf32, #tpu.memory_space<hbm>> -> memref<10240x16xf32, #tpu.memory_space<hbm>>
      %dma_start3A_96 = arith.constant 0 : i32
      %dma_start3A_97 = tpu.memref_slice %dma_start3A_95[%mul3A_2, %dma_start3A_96] : memref<10240x16xf32, #tpu.memory_space<hbm>> -> memref<640x16xf32, #tpu.memory_space<hbm>>
      %dma_start3A_98 = arith.constant 0 : i32
      %dma_start3A_99 = tpu.memref_slice %arg7[%mul3A_2, %dma_start3A_98] : memref<10240x16xf32, #tpu.memory_space<vmem_shared>> -> memref<640x16xf32, #tpu.memory_space<vmem_shared>>
      tpu.enqueue_dma source(%dma_start3A_99 : memref<640x16xf32, #tpu.memory_space<vmem_shared>>) target(%dma_start3A_97 : memref<640x16xf32, #tpu.memory_space<hbm>>) target_semaphore(%run_scoped3A : memref<!tpu.dma_semaphore, #tpu.memory_space<semaphore_mem>>)
      %dma_wait3A_100 = arith.constant 0 : i32
      %dma_wait3A_101 = arith.constant 0 : i32
      %dma_wait3A_102 = tpu.memref_slice %arg3[%arg0, %dma_wait3A_100, %dma_wait3A_101] : memref<2x10240x16xf32, #tpu.memory_space<hbm>> -> memref<1x10240x16xf32, #tpu.memory_space<hbm>>
      %dma_wait3A_103 = tpu.memref_squeeze %dma_wait3A_102 : memref<1x10240x16xf32, #tpu.memory_space<hbm>> -> memref<10240x16xf32, #tpu.memory_space<hbm>>
      %dma_wait3A_104 = arith.constant 0 : i32
      %dma_wait3A_105 = tpu.memref_slice %dma_wait3A_103[%mul3A_2, %dma_wait3A_104] : memref<10240x16xf32, #tpu.memory_space<hbm>> -> memref<640x16xf32, #tpu.memory_space<hbm>>
      %dma_wait3A_106 = arith.constant 0 : i32
      %dma_wait3A_107 = tpu.memref_slice %arg7[%mul3A_2, %dma_wait3A_106] : memref<10240x16xf32, #tpu.memory_space<vmem_shared>> -> memref<640x16xf32, #tpu.memory_space<vmem_shared>>
      tpu.wait_dma2 semaphore(%run_scoped3A : memref<!tpu.dma_semaphore, #tpu.memory_space<semaphore_mem>>) src(%dma_wait3A_107 : memref<640x16xf32, #tpu.memory_space<vmem_shared>>) dst(%dma_wait3A_105 : memref<640x16xf32, #tpu.memory_space<hbm>>)
      tpu.yield
    }) : () -> ()
    return
  }
}

module attributes {stable_mosaic.version = 14 : i64} {
  func.func @body(%arg0: i32, %arg1: memref<2x2000x16xf32, #tpu.memory_space<vmem>>, %arg2: memref<2000x128xf32, #tpu.memory_space<vmem>>, %arg3: memref<128x128xf32, #tpu.memory_space<vmem>>, %arg4: memref<2x2000x64xf32, #tpu.memory_space<vmem>>) attributes {dimension_semantics = [#tpu.dimension_semantics<arbitrary>], iteration_bounds = array<i64: 5>, scalar_prefetch = 0 : i64, scratch_operands = 0 : i64, tpu.core_type = #tpu.core_type<tc>, window_params = [{transform_indices = @transform_0, window_bounds = array<i64: 2, 2000, 16>}, {transform_indices = @transform_1, window_bounds = array<i64: 2000, 128>}, {pipeline_mode = #tpu.pipeline_mode<synchronous>, transform_indices = @transform_2, window_bounds = array<i64: 128, 128>}, {transform_indices = @transform_3, window_bounds = array<i64: 2, 2000, 64>}]} {
    %get3A = arith.constant 0 : index
    %get3A_0 = arith.constant 0 : index
    %get3A_1 = arith.constant 0 : index
    %get3A_2 = vector.load %arg1[%get3A, %get3A_0, %get3A_1] : memref<2x2000x16xf32, #tpu.memory_space<vmem>>, vector<1x2000x1xf32>
    %get3A_3 = vector.shape_cast %get3A_2 : vector<1x2000x1xf32> to vector<2000x1xf32>
    %get3A_4 = arith.constant 1 : index
    %get3A_5 = arith.constant 0 : index
    %get3A_6 = arith.constant 0 : index
    %get3A_7 = vector.load %arg1[%get3A_4, %get3A_5, %get3A_6] : memref<2x2000x16xf32, #tpu.memory_space<vmem>>, vector<1x2000x1xf32>
    %get3A_8 = vector.shape_cast %get3A_7 : vector<1x2000x1xf32> to vector<2000x1xf32>
    %add3A = arith.addf %get3A_3, %get3A_8 : vector<2000x1xf32>
    %add3A_9 = arith.constant 1.000000e+00 : f32
    %add3A_10 = vector.broadcast %add3A_9 : f32 to vector<2000x1xf32>
    %add3A_11 = arith.addf %add3A, %add3A_10 : vector<2000x1xf32>
    %rsqrt3A = math.rsqrt %add3A_11 : vector<2000x1xf32>
    %get3A_12 = arith.constant 0 : index
    %get3A_13 = arith.constant 0 : index
    %get3A_14 = vector.load %arg2[%get3A_12, %get3A_13] : memref<2000x128xf32, #tpu.memory_space<vmem>>, vector<2000x128xf32>
    %get3A_15 = arith.constant 0 : index
    %get3A_16 = arith.constant 0 : index
    %get3A_17 = vector.load %arg3[%get3A_15, %get3A_16] : memref<128x128xf32, #tpu.memory_space<vmem>>, vector<128x128xf32>
    %dot_general3A = arith.constant dense<0.000000e+00> : vector<2000x128xf32>
    %dot_general3A_18 = tpu.matmul %get3A_14, %get3A_17, %dot_general3A {dimension_numbers = #tpu.dot_dimension_numbers<[1], [0], [0], [1], [0, 0, 1, 1], [], []>, transpose_lhs_hint = false} : vector<2000x128xf32>, vector<128x128xf32>, vector<2000x128xf32> -> vector<2000x128xf32>
    %mul3A = vector.broadcast %rsqrt3A : vector<2000x1xf32> to vector<2000x128xf32>
    %mul3A_19 = arith.mulf %dot_general3A_18, %mul3A : vector<2000x128xf32>
    %slice3A = vector.extract_strided_slice %mul3A_19 {offsets = [0, 0], sizes = [2000, 64], strides = [1, 1]} : vector<2000x128xf32> to vector<2000x64xf32>
    %swap3A = arith.constant 0 : index
    %swap3A_20 = arith.constant 0 : index
    %swap3A_21 = arith.constant 0 : index
    %swap3A_22 = vector.load %arg4[%swap3A, %swap3A_20, %swap3A_21] : memref<2x2000x64xf32, #tpu.memory_space<vmem>>, vector<1x2000x64xf32>
    %swap3A_23 = vector.shape_cast %swap3A_22 : vector<1x2000x64xf32> to vector<2000x64xf32>
    %swap3A_24 = vector.shape_cast %slice3A : vector<2000x64xf32> to vector<1x2000x64xf32>
    tpu.vector_store %arg4[%swap3A, %swap3A_20, %swap3A_21], %swap3A_24 {strides = array<i32>} : memref<2x2000x64xf32, #tpu.memory_space<vmem>>, vector<1x2000x64xf32>,
    %slice3A_25 = vector.extract_strided_slice %mul3A_19 {offsets = [0, 64], sizes = [2000, 64], strides = [1, 1]} : vector<2000x128xf32> to vector<2000x64xf32>
    %swap3A_26 = arith.constant 1 : index
    %swap3A_27 = arith.constant 0 : index
    %swap3A_28 = arith.constant 0 : index
    %swap3A_29 = vector.load %arg4[%swap3A_26, %swap3A_27, %swap3A_28] : memref<2x2000x64xf32, #tpu.memory_space<vmem>>, vector<1x2000x64xf32>
    %swap3A_30 = vector.shape_cast %swap3A_29 : vector<1x2000x64xf32> to vector<2000x64xf32>
    %swap3A_31 = vector.shape_cast %slice3A_25 : vector<2000x64xf32> to vector<1x2000x64xf32>
    tpu.vector_store %arg4[%swap3A_26, %swap3A_27, %swap3A_28], %swap3A_31 {strides = array<i32>} : memref<2x2000x64xf32, #tpu.memory_space<vmem>>, vector<1x2000x64xf32>,
    return
  }
  func.func @transform_0(%arg0: i32) -> (i32, i32, i32) {
    %c0_i32 = arith.constant 0 : i32
    %c0_i32_0 = arith.constant 0 : i32
    %c0_i32_1 = arith.constant 0 : i32
    return %c0_i32, %arg0, %c0_i32_0 : i32, i32, i32
  }
  func.func @transform_1(%arg0: i32) -> (i32, i32) {
    %c0_i32 = arith.constant 0 : i32
    %c0_i32_0 = arith.constant 0 : i32
    return %arg0, %c0_i32 : i32, i32
  }
  func.func @transform_2(%arg0: i32) -> (i32, i32) {
    %c0_i32 = arith.constant 0 : i32
    %c0_i32_0 = arith.constant 0 : i32
    %c0_i32_1 = arith.constant 0 : i32
    return %c0_i32, %c0_i32_0 : i32, i32
  }
  func.func @transform_3(%arg0: i32) -> (i32, i32, i32) {
    %c0_i32 = arith.constant 0 : i32
    %c0_i32_0 = arith.constant 0 : i32
    %c0_i32_1 = arith.constant 0 : i32
    return %c0_i32, %arg0, %c0_i32_0 : i32, i32, i32
  }
}

module attributes {stable_mosaic.version = 14 : i64} {
  func.func @body(%arg0: i32, %arg1: memref<2x2000x64xf32, #tpu.memory_space<vmem>>, %arg2: memref<2x2000x64xf32, #tpu.memory_space<vmem>>, %arg3: memref<2x2000x16xf32, #tpu.memory_space<vmem>>, %arg4: memref<1x128xf32, #tpu.memory_space<vmem>>, %arg5: memref<128x128xf32, #tpu.memory_space<vmem>>, %arg6: memref<1x1x2000xi32, #tpu.memory_space<vmem>>, %arg7: memref<128x10xf32, #tpu.memory_space<vmem>>, %arg8: memref<1x10xf32, #tpu.memory_space<vmem>>, %arg9: memref<2x2000x64xf32, #tpu.memory_space<vmem>>, %arg10: memref<64x10xf32, #tpu.memory_space<vmem>>, %arg11: memref<64x128xf32, #tpu.memory_space<vmem>>, %arg12: memref<64x1xf32, #tpu.memory_space<vmem>>) attributes {dimension_semantics = [#tpu.dimension_semantics<arbitrary>], iteration_bounds = array<i64: 5>, scalar_prefetch = 0 : i64, scratch_operands = 2 : i64, tpu.core_type = #tpu.core_type<tc>, window_params = [{transform_indices = @transform_0, window_bounds = array<i64: 2, 2000, 64>}, {transform_indices = @transform_1, window_bounds = array<i64: 2, 2000, 64>}, {transform_indices = @transform_2, window_bounds = array<i64: 2, 2000, 16>}, {pipeline_mode = #tpu.pipeline_mode<synchronous>, transform_indices = @transform_3, window_bounds = array<i64: 1, 128>}, {pipeline_mode = #tpu.pipeline_mode<synchronous>, transform_indices = @transform_4, window_bounds = array<i64: 128, 128>}, {transform_indices = @transform_5, window_bounds = array<i64: 1, 1, 2000>}, {pipeline_mode = #tpu.pipeline_mode<synchronous>, transform_indices = @transform_6, window_bounds = array<i64: 128, 10>}, {pipeline_mode = #tpu.pipeline_mode<synchronous>, transform_indices = @transform_7, window_bounds = array<i64: 1, 10>}, {transform_indices = @transform_8, window_bounds = array<i64: 2, 2000, 64>}, {pipeline_mode = #tpu.pipeline_mode<synchronous>, transform_indices = @transform_9, window_bounds = array<i64: 64, 10>}]} {
    %get3A = arith.constant 0 : index
    %get3A_0 = arith.constant 0 : index
    %get3A_1 = arith.constant 0 : index
    %get3A_2 = vector.load %arg3[%get3A, %get3A_0, %get3A_1] : memref<2x2000x16xf32, #tpu.memory_space<vmem>>, vector<1x2000x1xf32>
    %get3A_3 = vector.shape_cast %get3A_2 : vector<1x2000x1xf32> to vector<2000x1xf32>
    %get3A_4 = arith.constant 1 : index
    %get3A_5 = arith.constant 0 : index
    %get3A_6 = arith.constant 0 : index
    %get3A_7 = vector.load %arg3[%get3A_4, %get3A_5, %get3A_6] : memref<2x2000x16xf32, #tpu.memory_space<vmem>>, vector<1x2000x1xf32>
    %get3A_8 = vector.shape_cast %get3A_7 : vector<1x2000x1xf32> to vector<2000x1xf32>
    %add3A = arith.addf %get3A_3, %get3A_8 : vector<2000x1xf32>
    %add3A_9 = arith.constant 1.000000e+00 : f32
    %add3A_10 = vector.broadcast %add3A_9 : f32 to vector<2000x1xf32>
    %add3A_11 = arith.addf %add3A, %add3A_10 : vector<2000x1xf32>
    %rsqrt3A = math.rsqrt %add3A_11 : vector<2000x1xf32>
    %get3A_12 = arith.constant 0 : index
    %get3A_13 = arith.constant 0 : index
    %get3A_14 = arith.constant 0 : index
    %get3A_15 = vector.load %arg1[%get3A_12, %get3A_13, %get3A_14] : memref<2x2000x64xf32, #tpu.memory_space<vmem>>, vector<1x2000x64xf32>
    %get3A_16 = vector.shape_cast %get3A_15 : vector<1x2000x64xf32> to vector<2000x64xf32>
    %get3A_17 = arith.constant 0 : index
    %get3A_18 = arith.constant 0 : index
    %get3A_19 = arith.constant 0 : index
    %get3A_20 = vector.load %arg2[%get3A_17, %get3A_18, %get3A_19] : memref<2x2000x64xf32, #tpu.memory_space<vmem>>, vector<1x2000x64xf32>
    %get3A_21 = vector.shape_cast %get3A_20 : vector<1x2000x64xf32> to vector<2000x64xf32>
    %add3A_22 = arith.addf %get3A_16, %get3A_21 : vector<2000x64xf32>
    %get3A_23 = arith.constant 1 : index
    %get3A_24 = arith.constant 0 : index
    %get3A_25 = arith.constant 0 : index
    %get3A_26 = vector.load %arg1[%get3A_23, %get3A_24, %get3A_25] : memref<2x2000x64xf32, #tpu.memory_space<vmem>>, vector<1x2000x64xf32>
    %get3A_27 = vector.shape_cast %get3A_26 : vector<1x2000x64xf32> to vector<2000x64xf32>
    %get3A_28 = arith.constant 1 : index
    %get3A_29 = arith.constant 0 : index
    %get3A_30 = arith.constant 0 : index
    %get3A_31 = vector.load %arg2[%get3A_28, %get3A_29, %get3A_30] : memref<2x2000x64xf32, #tpu.memory_space<vmem>>, vector<1x2000x64xf32>
    %get3A_32 = vector.shape_cast %get3A_31 : vector<1x2000x64xf32> to vector<2000x64xf32>
    %add3A_33 = arith.addf %get3A_27, %get3A_32 : vector<2000x64xf32>
    %concatenate3A = tpu.concatenate %add3A_22, %add3A_33 in 1 : vector<2000x64xf32>, vector<2000x64xf32> -> vector<2000x128xf32>
    %mul3A = vector.broadcast %rsqrt3A : vector<2000x1xf32> to vector<2000x128xf32>
    %mul3A_34 = arith.mulf %mul3A, %concatenate3A : vector<2000x128xf32>
    %get3A_35 = arith.constant 0 : index
    %get3A_36 = arith.constant 0 : index
    %get3A_37 = vector.load %arg4[%get3A_35, %get3A_36] : memref<1x128xf32, #tpu.memory_space<vmem>>, vector<1x128xf32>
    %add3A_38 = vector.broadcast %get3A_37 : vector<1x128xf32> to vector<2000x128xf32>
    %add3A_39 = arith.addf %mul3A_34, %add3A_38 : vector<2000x128xf32>
    %max3A = arith.constant 0.000000e+00 : f32
    %max3A_40 = vector.broadcast %max3A : f32 to vector<2000x128xf32>
    %max3A_41 = arith.maximumf %add3A_39, %max3A_40 : vector<2000x128xf32>
    %get3A_42 = arith.constant 0 : index
    %get3A_43 = arith.constant 0 : index
    %get3A_44 = vector.load %arg5[%get3A_42, %get3A_43] : memref<128x128xf32, #tpu.memory_space<vmem>>, vector<128x128xf32>
    %dot_general3A = arith.constant dense<0.000000e+00> : vector<2000x128xf32>
    %dot_general3A_45 = tpu.matmul %max3A_41, %get3A_44, %dot_general3A {dimension_numbers = #tpu.dot_dimension_numbers<[1], [0], [0], [1], [0, 0, 1, 1], [], []>, transpose_lhs_hint = false} : vector<2000x128xf32>, vector<128x128xf32>, vector<2000x128xf32> -> vector<2000x128xf32>
    %mul3A_46 = vector.broadcast %rsqrt3A : vector<2000x1xf32> to vector<2000x128xf32>
    %mul3A_47 = arith.mulf %dot_general3A_45, %mul3A_46 : vector<2000x128xf32>
    %slice3A = vector.extract_strided_slice %mul3A_47 {offsets = [0, 0], sizes = [2000, 64], strides = [1, 1]} : vector<2000x128xf32> to vector<2000x64xf32>
    %swap3A = arith.constant 0 : index
    %swap3A_48 = arith.constant 0 : index
    %swap3A_49 = arith.constant 0 : index
    %swap3A_50 = vector.load %arg9[%swap3A, %swap3A_48, %swap3A_49] : memref<2x2000x64xf32, #tpu.memory_space<vmem>>, vector<1x2000x64xf32>
    %swap3A_51 = vector.shape_cast %swap3A_50 : vector<1x2000x64xf32> to vector<2000x64xf32>
    %swap3A_52 = vector.shape_cast %slice3A : vector<2000x64xf32> to vector<1x2000x64xf32>
    tpu.vector_store %arg9[%swap3A, %swap3A_48, %swap3A_49], %swap3A_52 {strides = array<i32>} : memref<2x2000x64xf32, #tpu.memory_space<vmem>>, vector<1x2000x64xf32>,
    %slice3A_53 = vector.extract_strided_slice %mul3A_47 {offsets = [0, 64], sizes = [2000, 64], strides = [1, 1]} : vector<2000x128xf32> to vector<2000x64xf32>
    %swap3A_54 = arith.constant 1 : index
    %swap3A_55 = arith.constant 0 : index
    %swap3A_56 = arith.constant 0 : index
    %swap3A_57 = vector.load %arg9[%swap3A_54, %swap3A_55, %swap3A_56] : memref<2x2000x64xf32, #tpu.memory_space<vmem>>, vector<1x2000x64xf32>
    %swap3A_58 = vector.shape_cast %swap3A_57 : vector<1x2000x64xf32> to vector<2000x64xf32>
    %swap3A_59 = vector.shape_cast %slice3A_53 : vector<2000x64xf32> to vector<1x2000x64xf32>
    tpu.vector_store %arg9[%swap3A_54, %swap3A_55, %swap3A_56], %swap3A_59 {strides = array<i32>} : memref<2x2000x64xf32, #tpu.memory_space<vmem>>, vector<1x2000x64xf32>,
    %iota3A = tpu.iota {dimensions = array<i32: 0>} : vector<64x2000xi32>
    %get3A_60 = arith.constant 0 : index
    %get3A_61 = arith.constant 0 : index
    %get3A_62 = arith.constant 0 : index
    %get3A_63 = vector.load %arg6[%get3A_60, %get3A_61, %get3A_62] : memref<1x1x2000xi32, #tpu.memory_space<vmem>>, vector<1x1x2000xi32>
    %get3A_64 = vector.shape_cast %get3A_63 : vector<1x1x2000xi32> to vector<1x2000xi32>
    %eq3A = vector.broadcast %get3A_64 : vector<1x2000xi32> to vector<64x2000xi32>
    %eq3A_65 = arith.cmpi eq, %eq3A, %iota3A : vector<64x2000xi32>
    %convert_element_type3A = arith.extui %eq3A_65 : vector<64x2000xi1> to vector<64x2000xi32>
    %convert_element_type3A_66 = arith.sitofp %convert_element_type3A : vector<64x2000xi32> to vector<64x2000xf32>
    %dot_general3A_67 = arith.constant dense<0.000000e+00> : vector<64x128xf32>
    %dot_general3A_68 = tpu.matmul %convert_element_type3A_66, %max3A_41, %dot_general3A_67 {dimension_numbers = #tpu.dot_dimension_numbers<[1], [0], [0], [1], [0, 0, 1, 1], [], []>, transpose_lhs_hint = false} : vector<64x2000xf32>, vector<2000x128xf32>, vector<64x128xf32> -> vector<64x128xf32>
    %eq3A_69 = arith.constant 0 : i32
    %eq3A_70 = arith.cmpi eq, %arg0, %eq3A_69 : i32
    %convert_element_type3A_71 = arith.extui %eq3A_70 : i1 to i32
    %cond3A = arith.constant 0 : i32
    %cond3A_72 = arith.cmpi ne, %convert_element_type3A_71, %cond3A : i32
    scf.if %cond3A_72 {
      %broadcast_in_dim3A_93 = arith.constant 0.000000e+00 : f32
      %broadcast_in_dim3A_94 = vector.broadcast %broadcast_in_dim3A_93 : f32 to vector<64x128xf32>
      %swap3A_95 = arith.constant 0 : index
      %swap3A_96 = arith.constant 0 : index
      %swap3A_97 = vector.load %arg11[%swap3A_95, %swap3A_96] : memref<64x128xf32, #tpu.memory_space<vmem>>, vector<64x128xf32>
      tpu.vector_store %arg11[%swap3A_95, %swap3A_96], %broadcast_in_dim3A_94 {strides = array<i32>} : memref<64x128xf32, #tpu.memory_space<vmem>>, vector<64x128xf32>,
      %broadcast_in_dim3A_98 = arith.constant 0.000000e+00 : f32
      %broadcast_in_dim3A_99 = vector.broadcast %broadcast_in_dim3A_98 : f32 to vector<64x1xf32>
      %swap3A_100 = arith.constant 0 : index
      %swap3A_101 = arith.constant 0 : index
      %swap3A_102 = vector.load %arg12[%swap3A_100, %swap3A_101] : memref<64x1xf32, #tpu.memory_space<vmem>>, vector<64x1xf32>
      tpu.vector_store %arg12[%swap3A_100, %swap3A_101], %broadcast_in_dim3A_99 {strides = array<i32>} : memref<64x1xf32, #tpu.memory_space<vmem>>, vector<64x1xf32>,
    } else {
    }
    %get3A_73 = arith.constant 0 : index
    %get3A_74 = arith.constant 0 : index
    %get3A_75 = vector.load %arg11[%get3A_73, %get3A_74] : memref<64x128xf32, #tpu.memory_space<vmem>>, vector<64x128xf32>
    %add3A_76 = arith.addf %get3A_75, %dot_general3A_68 : vector<64x128xf32>
    %swap3A_77 = arith.constant 0 : index
    %swap3A_78 = arith.constant 0 : index
    %swap3A_79 = vector.load %arg11[%swap3A_77, %swap3A_78] : memref<64x128xf32, #tpu.memory_space<vmem>>, vector<64x128xf32>
    tpu.vector_store %arg11[%swap3A_77, %swap3A_78], %add3A_76 {strides = array<i32>} : memref<64x128xf32, #tpu.memory_space<vmem>>, vector<64x128xf32>,
    %get3A_80 = arith.constant 0 : index
    %get3A_81 = arith.constant 0 : index
    %get3A_82 = vector.load %arg12[%get3A_80, %get3A_81] : memref<64x1xf32, #tpu.memory_space<vmem>>, vector<64x1xf32>
    %reduce_sum3A = arith.constant dense<0.000000e+00> : vector<64xf32>
    %reduce_sum3A_83 = vector.multi_reduction <add>, %convert_element_type3A_66, %reduce_sum3A [1] : vector<64x2000xf32> to vector<64xf32>
    %broadcast_in_dim3A = vector.shape_cast %reduce_sum3A_83 : vector<64xf32> to vector<64x1xf32>
    %add3A_84 = arith.addf %get3A_82, %broadcast_in_dim3A : vector<64x1xf32>
    %swap3A_85 = arith.constant 0 : index
    %swap3A_86 = arith.constant 0 : index
    %swap3A_87 = vector.load %arg12[%swap3A_85, %swap3A_86] : memref<64x1xf32, #tpu.memory_space<vmem>>, vector<64x1xf32>
    tpu.vector_store %arg12[%swap3A_85, %swap3A_86], %add3A_84 {strides = array<i32>} : memref<64x1xf32, #tpu.memory_space<vmem>>, vector<64x1xf32>,
    %eq3A_88 = arith.constant 4 : i32
    %eq3A_89 = arith.cmpi eq, %arg0, %eq3A_88 : i32
    %convert_element_type3A_90 = arith.extui %eq3A_89 : i1 to i32
    %cond3A_91 = arith.constant 0 : i32
    %cond3A_92 = arith.cmpi ne, %convert_element_type3A_90, %cond3A_91 : i32
    scf.if %cond3A_92 {
      %get3A_93 = arith.constant 0 : index
      %get3A_94 = arith.constant 0 : index
      %get3A_95 = vector.load %arg11[%get3A_93, %get3A_94] : memref<64x128xf32, #tpu.memory_space<vmem>>, vector<64x128xf32>
      %get3A_96 = arith.constant 0 : index
      %get3A_97 = arith.constant 0 : index
      %get3A_98 = vector.load %arg12[%get3A_96, %get3A_97] : memref<64x1xf32, #tpu.memory_space<vmem>>, vector<64x1xf32>
      %max3A_99 = arith.constant 1.000000e+00 : f32
      %max3A_100 = vector.broadcast %max3A_99 : f32 to vector<64x1xf32>
      %max3A_101 = arith.maximumf %get3A_98, %max3A_100 : vector<64x1xf32>
      %div3A = vector.broadcast %max3A_101 : vector<64x1xf32> to vector<64x128xf32>
      %div3A_102 = arith.divf %get3A_95, %div3A : vector<64x128xf32>
      %get3A_103 = arith.constant 0 : index
      %get3A_104 = arith.constant 0 : index
      %get3A_105 = vector.load %arg7[%get3A_103, %get3A_104] : memref<128x10xf32, #tpu.memory_space<vmem>>, vector<128x10xf32>
      %dot_general3A_106 = arith.constant dense<0.000000e+00> : vector<64x10xf32>
      %dot_general3A_107 = tpu.matmul %div3A_102, %get3A_105, %dot_general3A_106 {dimension_numbers = #tpu.dot_dimension_numbers<[1], [0], [0], [1], [0, 0, 1, 1], [], []>, transpose_lhs_hint = false} : vector<64x128xf32>, vector<128x10xf32>, vector<64x10xf32> -> vector<64x10xf32>
      %get3A_108 = arith.constant 0 : index
      %get3A_109 = arith.constant 0 : index
      %get3A_110 = vector.load %arg8[%get3A_108, %get3A_109] : memref<1x10xf32, #tpu.memory_space<vmem>>, vector<1x10xf32>
      %add3A_111 = vector.broadcast %get3A_110 : vector<1x10xf32> to vector<64x10xf32>
      %add3A_112 = arith.addf %dot_general3A_107, %add3A_111 : vector<64x10xf32>
      %swap3A_113 = arith.constant 0 : index
      %swap3A_114 = arith.constant 0 : index
      %swap3A_115 = vector.load %arg10[%swap3A_113, %swap3A_114] : memref<64x10xf32, #tpu.memory_space<vmem>>, vector<64x10xf32>
      tpu.vector_store %arg10[%swap3A_113, %swap3A_114], %add3A_112 {strides = array<i32>} : memref<64x10xf32, #tpu.memory_space<vmem>>, vector<64x10xf32>,
    } else {
    }
    return
  }
  func.func @transform_0(%arg0: i32) -> (i32, i32, i32) {
    %c0_i32 = arith.constant 0 : i32
    %c0_i32_0 = arith.constant 0 : i32
    %c0_i32_1 = arith.constant 0 : i32
    return %c0_i32, %arg0, %c0_i32_0 : i32, i32, i32
  }
  func.func @transform_1(%arg0: i32) -> (i32, i32, i32) {
    %c0_i32 = arith.constant 0 : i32
    %c0_i32_0 = arith.constant 0 : i32
    %c0_i32_1 = arith.constant 0 : i32
    return %c0_i32, %arg0, %c0_i32_0 : i32, i32, i32
  }
  func.func @transform_2(%arg0: i32) -> (i32, i32, i32) {
    %c0_i32 = arith.constant 0 : i32
    %c0_i32_0 = arith.constant 0 : i32
    %c0_i32_1 = arith.constant 0 : i32
    return %c0_i32, %arg0, %c0_i32_0 : i32, i32, i32
  }
  func.func @transform_3(%arg0: i32) -> (i32, i32) {
    %c0_i32 = arith.constant 0 : i32
    %c0_i32_0 = arith.constant 0 : i32
    %c0_i32_1 = arith.constant 0 : i32
    return %c0_i32, %c0_i32_0 : i32, i32
  }
  func.func @transform_4(%arg0: i32) -> (i32, i32) {
    %c0_i32 = arith.constant 0 : i32
    %c0_i32_0 = arith.constant 0 : i32
    %c0_i32_1 = arith.constant 0 : i32
    return %c0_i32, %c0_i32_0 : i32, i32
  }
  func.func @transform_5(%arg0: i32) -> (i32, i32, i32) {
    %c0_i32 = arith.constant 0 : i32
    %c0_i32_0 = arith.constant 0 : i32
    %c0_i32_1 = arith.constant 0 : i32
    return %arg0, %c0_i32, %c0_i32_0 : i32, i32, i32
  }
  func.func @transform_6(%arg0: i32) -> (i32, i32) {
    %c0_i32 = arith.constant 0 : i32
    %c0_i32_0 = arith.constant 0 : i32
    %c0_i32_1 = arith.constant 0 : i32
    return %c0_i32, %c0_i32_0 : i32, i32
  }
  func.func @transform_7(%arg0: i32) -> (i32, i32) {
    %c0_i32 = arith.constant 0 : i32
    %c0_i32_0 = arith.constant 0 : i32
    %c0_i32_1 = arith.constant 0 : i32
    return %c0_i32, %c0_i32_0 : i32, i32
  }
  func.func @transform_8(%arg0: i32) -> (i32, i32, i32) {
    %c0_i32 = arith.constant 0 : i32
    %c0_i32_0 = arith.constant 0 : i32
    %c0_i32_1 = arith.constant 0 : i32
    return %c0_i32, %arg0, %c0_i32_0 : i32, i32, i32
  }
  func.func @transform_9(%arg0: i32) -> (i32, i32) {
    %c0_i32 = arith.constant 0 : i32
    %c0_i32_0 = arith.constant 0 : i32
    %c0_i32_1 = arith.constant 0 : i32
    return %c0_i32, %c0_i32_0 : i32, i32
  }
}

</mosaic_0001>

<sc_bundles>
// kernel: closed_call.14.cloned.1.call-start
scs
__scs_entry_jumppad:
0x0: {  	(pc) =	sbr.rel $0x88, $3  }
0x1: {  	(tag) =	ssettag $0x0;
	lr =	simm.s32 $0x1  }
0x2: {  	[smem:$0x3F98] =	sst lr;
	_ =	strace $0xD0000000  }
0x3: {  	_ = 	snop  }
0x4: {  	_ = 	snop  }
0x5: {  	_ = 	snop  }
0x6: {  	_ = 	snop  }
0x7: {  	_ = 	snop  }
__scs_overlays_trampoline_lowered:
0x8: {  	[smem:$0x3FA7] =	sst s0  }
0x9: {  	[smem:$0x3FA8] =	sst s1  }
0xa: {  	[smem:$0x3FA9] =	sst s2  }
0xb: {  	[smem:$0x3FAA] =	sst s3  }
0xc: {  	[smem:$0x3FAB] =	sst s4  }
0xd: {  	[smem:$0x3FAC] =	sst s5  }
0xe: {  	[smem:$0x3FAD] =	sst s6  }
0xf: {  	[smem:$0x3FAE] =	sst s7  }
0x10: {  	[smem:$0x3FAF] =	sst s8  }
0x11: {  	[smem:$0x3FB0] =	sst s9;
	s0 =	simm.s32 @!p0 $0x0  }
0x12: {  	s1 =	sld [smem:$0x3F96];
	s0 =	simm.s32 @p0 $0x1  }
0x13: {  	[smem:$0x3FB1] =	sst s0;
	s0 =	simm.s32 @!p1 $0x0  }
0x14: {  	s2 =	sld [smem:$0x3F95];
	s0 =	simm.s32 @p1 $0x1  }
0x15: {  	[smem:$0x3FB2] =	sst s0;
	s0 =	simm.s32 @!p2 $0x0  }
0x16: {  	s3 =	sld [smem:$0x3FDB];
	s0 =	simm.s32 @p2 $0x1  }
0x17: {  	s4 =	simm.s32 $0x1BF5;
	[smem:$0x3FB4] =	sst s0  }
0x18: {  	s0 =	sld [smem:$0x3F97];
	_ =	swait.ge [sflag:s4], $0x0  }
0x19: {  	s7 =	sld [smem:$0x3F98]  }
0x1a: {  	s8 =	sadd.s32 $0xFFFFE003, lr  }
0x1b: {  	s9 =	sadd.s32 $0xFFFFFEF7, lr;
	s5 =	simm.s32 $0xFFFFFFFF;
	p2 =	slt.u32 s8, $0xFFFFF086  }
0x1c: {  	p1 =	slt.u32 s9, $0xF7A;
	s5 =	simm.s32 @!p2 $0x0  }
0x1d: {  	s5 =	simm.s32 @p1 $0x1;
	p0 =	seq.s32 s7, s2  }
0x1e: {  	s7 =	smul.u32 @!p0 $0xF7A, s2;
	p2 =	seq.s32 @!p0 s5, $0x0  }
0x1f: {  	s9 =	smul.u32 $0xF7A, s1;
	s8 =	simm.s32 @!p0 $0x1BF5;
	p2 =	por !p2, p0  }
0x20: {  	[sflag:s8] =	ssyncset.s32 @!p0 $0xFFFFF086;
	s6 =	sadd.s32 @!p0 s3, s7;
	s7 =	simm.s32 @!p0 $0x108  }
0x21: {  	s3 =	sadd.s32 s3, s9;
	s6 =	sadd.s32 @!p0 $0x88, s6;
	s7 =	simm.s32 @p2 $0x1082  }
0x22: {  	[simem:s7], [sflag:s8] =	dma.local @!p0 [hbm:s6], $0xF7A  }
0x23: {  	s9 =	sor.u32 $0xD0000000, s2;
	s6 =	simm.s32 $0x108;
	_ =	swait.ge @!p0 [sflag:s8], $0x0  }
0x24: {  	s3 =	sadd.s32 $0x88, s3;
	s6 =	simm.s32 @!p1 $0x1082;
	[sflag:s4] =	ssyncset.s32 $0xFFFFF086  }
0x25: {  	[simem:s6], [sflag:s4] =	dma.local [hbm:s3], $0xF7A  }
0x26: {  	[smem:$0x3F98] =	sst s1;
	(tag) =	ssettag s2;
	_ =	strace s9  }
0x27: {  	s1 =	sld [smem:$0x3FA8]  }
0x28: {  	s2 =	sld [smem:$0x3FA9]  }
0x29: {  	s4 =	sld [smem:$0x3FAB]  }
0x2a: {  	p0 =	seq.s32 s5, $0x0;
	s5 =	sld [smem:$0x3FAC]  }
0x2b: {  	s6 =	sld [smem:$0x3FAD]  }
0x2c: {  	s7 =	sld [smem:$0x3FAE]  }
0x2d: {  	s3 =	simm.s32 $0x108;
	s8 =	sld [smem:$0x3FAF]  }
0x2e: {  	s3 =	simm.s32 @!p0 $0x1082;
	s9 =	sld [smem:$0x3FB0]  }
0x2f: {  	lr =	sadd.s32 s0, s3;
	s0 =	sld [smem:$0x3FA7]  }
0x30: {  	s3 =	sld [smem:$0x3FAA]  }
0x31: {  	[smem:$0x3FB3] =	sst s10  }
0x32: {  	s10 =	sld [smem:$0x3FB1];
	_ =	sdelay $0x3  }
0x33: {  	p0 =	seq.s32 s10, $0x1;
	s10 =	sld [smem:$0x3FB3];
	_ =	sdelay $0x3  }
0x34: {  	[smem:$0x3FB3] =	sst s10  }
0x35: {  	s10 =	sld [smem:$0x3FB2];
	_ =	sdelay $0x3  }
0x36: {  	p1 =	seq.s32 s10, $0x1;
	s10 =	sld [smem:$0x3FB3];
	_ =	sdelay $0x3  }
0x37: {  	[smem:$0x3FB3] =	sst s10  }
0x38: {  	s10 =	sld [smem:$0x3FB4]  }
0x39: {  	_ = 	snop;
	(pc) =	sbr.ind lr, $3  }
0x3a: {  	_ = 	snop  }
0x3b: {  	_ = 	snop  }
0x3c: {  	p2 =	seq.s32 s10, $0x1;
	s10 =	sld [smem:$0x3FB3]  }
0x3d: {  	_ =	shalt  }
0x3e: {  	_ =	shalt  }
0x3f: {  	_ =	shalt  }
0x40: {  	_ =	shalt  }
0x41: {  	_ =	shalt  }
0x42: {  	_ =	shalt  }
0x43: {  	_ =	shalt  }
0x44: {  	_ =	shalt  }
0x45: {  	_ =	shalt  }
0x46: {  	_ =	shalt  }
0x47: {  	_ =	shalt  }
0x48: {  	_ =	shalt  }
0x49: {  	_ =	shalt  }
0x4a: {  	_ =	shalt  }
0x4b: {  	_ =	shalt  }
0x4c: {  	_ =	shalt  }
0x4d: {  	_ =	shalt  }
0x4e: {  	_ =	shalt  }
0x4f: {  	_ =	shalt  }
0x50: {  	_ =	shalt  }
0x51: {  	_ =	shalt  }
0x52: {  	_ =	shalt  }
0x53: {  	_ =	shalt  }
0x54: {  	_ =	shalt  }
0x55: {  	_ =	shalt  }
0x56: {  	_ =	shalt  }
0x57: {  	_ =	shalt  }
0x58: {  	_ =	shalt  }
0x59: {  	_ =	shalt  }
0x5a: {  	_ =	shalt  }
0x5b: {  	_ =	shalt  }
0x5c: {  	_ =	shalt  }
0x5d: {  	_ =	shalt  }
0x5e: {  	_ =	shalt  }
0x5f: {  	_ =	shalt  }
0x60: {  	_ =	shalt  }
0x61: {  	_ =	shalt  }
0x62: {  	_ =	shalt  }
0x63: {  	_ =	shalt  }
0x64: {  	_ =	shalt  }
0x65: {  	_ =	shalt  }
0x66: {  	_ =	shalt  }
0x67: {  	_ =	shalt  }
0x68: {  	_ =	shalt  }
0x69: {  	_ =	shalt  }
0x6a: {  	_ =	shalt  }
0x6b: {  	_ =	shalt  }
0x6c: {  	_ =	shalt  }
0x6d: {  	_ =	shalt  }
0x6e: {  	_ =	shalt  }
0x6f: {  	_ =	shalt  }
0x70: {  	_ =	shalt  }
0x71: {  	_ =	shalt  }
0x72: {  	_ =	shalt  }
0x73: {  	_ =	shalt  }
0x74: {  	_ =	shalt  }
0x75: {  	_ =	shalt  }
0x76: {  	_ =	shalt  }
0x77: {  	_ =	shalt  }
0x78: {  	_ =	shalt  }
0x79: {  	_ =	shalt  }
0x7a: {  	_ =	shalt  }
0x7b: {  	_ =	shalt  }
0x7c: {  	_ =	shalt  }
0x7d: {  	_ =	shalt  }
0x7e: {  	_ =	shalt  }
0x7f: {  	_ =	shalt  }
0x80: {  	_ =	shalt  }
0x81: {  	_ =	shalt  }
0x82: {  	_ =	shalt  }
0x83: {  	_ =	shalt  }
0x84: {  	_ =	shalt  }
0x85: {  	_ =	shalt  }
0x86: {  	_ =	shalt  }
0x87: {  	_ =	shalt  }
.Lfunc_end0:
.L_simem_size_0:
called_computation_lowered:
.L_overlay_start_0:
0x88: {  	s2 =	sld [smem:$0x3FD9]  }
0x89: {  	s3 =	sld [smem:$0x3FFE];
	_ =	sdelay $0x1  }
0x8a: {  	s1 =	srdreg.scid  }
0x8b: {  	s0 =	sand.u32 $0x1, s1  }
0x8c: {  	s16 =	sshll.u32 s0, $0xA;
	s2 =	sadd.s32 s3, s2  }
0x8d: {  	s2 =	sadd.s32 s2, s16  }
0x8e: {  	[smem:$0x3FBF] =	sst s2  }
0x8f: {  	_ = 	snop  }
0x90: {  	(tm) =	ssettm $0x1  }
0x91: {  	s17 =	sld [smem:$0x3FFB];
	_ =	sdelay $0x3  }
0x92: {  	_ =	strace s17  }
0x93: {  	s2 =	sld [smem:$0x3FFC];
	_ =	sdelay $0x3  }
0x94: {  	_ =	strace s2  }
0x95: {  	s2 =	sld [smem:$0x3FFD];
	_ =	sdelay $0x3  }
0x96: {  	_ =	strace s2  }
0x97: {  	_ =	strace $0x8FFFFFFF  }
0x98: {  	s18 =	sld [smem:$0x3FDB];
	_ =	sdelay $0x1  }
0x99: {  	s19 =	simm.s32 $_scs_section_size  }
0x9a: {  	s4 =	simm.s32 $_size__tile_overlayer_lowered;
	s5 =	simm.s32 $_tile_overlayer_lowered  }
0x9b: {  	s22 =	simm.s32 $0x1BFF;
	s21 =	sshll.u32 s5, $0x1;
	s2 =	sadd.s32 s19, s18  }
0x9c: {  	s6 =	simm.s32 $0x0;
	s20 =	sshll.u32 s4, $0x1;
	s4 =	sadd.s32 s21, s2  }
0x9d: {  	[timem:s6], [sflag:s22] =	dma.local [hbm:s4], s20  }
0x9e: {  	_ =	swait.ge [sflag:s22], s20  }
0x9f: {  	s3 =	ssub.s32 $0x0, s20;
	[sflag:s22] =	ssyncset.done $0x0  }
0xa0: {  	[sflag:s22] =	ssyncadd.s32 s3;
	_ =	sdelay $0x1  }
0xa1: {  	s23 =	simm.s32 $0x1B8B  }
0xa2: {  	_ =	swait.ge [sflag:s23], $0x1  }
0xa3: {  	[sflag:s23] =	ssyncset.done $0x0  }
0xa4: {  	s25 =	simm.s32 $0x1B8E;
	s24 =	sld [smem:$0x3FFE];
	[sflag:s23] =	ssyncadd.s32 $0xFFFFFFFF  }
0xa5: {  	s26 =	simm.s32 $execute0_lowered;
	[smem:$0x3FD2] =	sst s25  }
0xa6: {  	s4 =	sshll.u32 s26, $0x1;
	_ =	strace $0x80000049;
	[dreg:$0x1] =	wrdreg $0xFFFFFFFF  }
0xa7: {  	s28 =	simm.s32 $_size_execute0_lowered;
	s2 =	sadd.s32 s2, s4;
	[dreg:$0x0] =	wrdreg $0x0  }
0xa8: {  	s4 =	sshll.u32 s28, $0x1;
	[dreg:$0x2] =	wrdreg s2  }
0xa9: {  	[dreg:$0x3] =	wrdreg s4  }
0xaa: {  	[dreg:$0x4] =	wrdreg $0xC0  }
0xab: {  	_ =	task [dreg:s6], $0x5FFFF  }
0xac: {  	[dreg:$0x1] =	wrdreg $0xFFFFFFFF  }
0xad: {  	[dreg:$0x0] =	wrdreg $0x60  }
0xae: {  	[dreg:$0x2] =	wrdreg s24  }
0xaf: {  	[dreg:$0x3] =	wrdreg $0x15C400  }
0xb0: {  	[dreg:$0x4] =	wrdreg $0x9  }
0xb1: {  	_ =	task.clear_ibuf [dreg:s6], $0x5FFFF;
	_ =	strace $0x90000049  }
0xb2: {  	s29 =	simm.s32 $0x9;
	_ =	strace $0x8000004B  }
0xb3: {  	_ =	swait.ge [sflag:s29], $0x1  }
0xb4: {  	[sflag:s29] =	ssyncadd.s32 $0xFFFFFFFF  }
0xb5: {  	_ =	strace $0x9000004B  }
0xb6: {  	_ =	sfence  }
0xb7: {  	s30 =	sld [smem:$0x0];
	_ =	sdelay $0x2  }
0xb8: {  	s31 =	sshll.u32 s1, $0xD;
	s1 =	sshrl.u32 s1, $0x2  }
0xb9: {  	s3 =	sand.u32 $0x4000, s31;
	s1 =	sadd.s32 s1, s30  }
0xba: {  	s0 =	sor.u32 s3, s0;
	s1 =	sshll.u32 s1, $0x11  }
0xbb: {  	s0 =	sor.u32 s1, s0  }
0xbc: {  	s0 =	sadd.s32 $0x8F2B, s0  }
0xbd: {  	[sflag:s0] =	ssyncadd.remote.s32 $0x1  }
0xbe: {  	_ =	sfence.sel $0xFFFF  }
0xbf: {  	[dreg:$0x0] =	wrdreg $0xFFFFFFFF;
	(pc) =	sbr.abs _section_cstart, $3  }
0xc0: {  	[dreg:$0x1] =	wrdreg $0xFFFFFFFF  }
0xc1: {  	_ =	task.clear_ibuf [dreg:s6], $0x2FFFF;
	_ =	strace $0x9FFFFFFF  }
0xc2: {  	(tm) =	ssettm $0x7FFFFFFF  }
0xc3: {  	_ =	shalt  }
tec
execute0_lowered:
.L_overlay_start_1:
0x0: {  	(tag) =	ssettag $0x1  }
0x1: {  	s0 =	rddreg [dreg:$0x0]  }
0x2: {  	s1 =	rddreg [dreg:$0x1];
	s2 =	srdreg.scid  }
0x3: {  	s4 =	simm.s32 $0x0;
	s7 =	stileid.u32;
	s14 =	simm.s32 $0x13C40  }
0x4: {  	s15 =	simm.s32 $0x1;
	s16 =	simm.s32 $0x2;
	s17 =	simm.s32 $0x6  }
0x5: {  	s18 =	simm.s32 $0x7;
	s19 =	simm.s32 $0x8;
	s20 =	simm.s32 $0x9  }
0x6: {  	s21 =	simm.s32 $0xA;
	s29 =	simm.s32 $0xDE80;
	s22 =	smul.u32 $0xA00, s7  }
0x7: {  	s31 =	simm.s32 $0xFDC0;
	s13 =	simm.s32 $0x11D00;
	s6 =	smul.u32 $0x28000, s7  }
0x8: {  	s28 =	simm.s32 $0x5;
	s2 =	sand.u32 $0x1, s2;
	s12 =	smul.u32 $0xA000, s7  }
0x9: {  	s30 =	simm.s32 $0x0;
	[smem:$0x7FF] =	sst s4;
	s3 =	smul.u32 $0x13880, s2  }
0xa: {  	_ =	strace $0x8000004A;
	s5 =	smul.u32 $0x14000, s2;
	s2 =	ssub.s32 $0x2, s2  }
0xb: {  	s4 =	sadd.s32 s22, s0;
	s23 =	sshrl.u32 s2, $0x1;
	s6 =	sshrl.u32 s6, $0x2  }
0xc: {  	s26 =	sshrl.u32 s12, $0x3;
	s22 =	simm.s32 $0x7D;
	s3 =	sadd.s32 s3, s0  }
0xd: {  	s0 =	sadd.s32 s5, s0;
	s2 =	ssub.s32 s2, s23;
	s24 =	sadd.s32 $0x1A00, s4  }
0xe: {  	s4 =	sadd.s32 $0xBA00, s4;
	s25 =	sadd.s32 s6, s1;
	[dreg:$0x3] =	wrdreg s24  }
0xf: {  	s6 =	sadd.s32 s12, s1;
	s23 =	simm.s32 $0xA000;
	[dreg:$0x4] =	wrdreg s4  }
0x10: {  	s7 =	sadd.s32 $0x2000, s25;
	s8 =	sadd.s32 $0x4000, s25;
	s9 =	sadd.s32 $0x6000, s25  }
0x11: {  	s10 =	sadd.s32 $0x8000, s25;
	s11 =	sadd.s32 $0x6FA00, s3;
	s0 =	sadd.s32 $0x96C00, s0  }
0x12: {  	s12 =	smax.u32 s2, $0x1;
	s2 =	simm.s32 $0x3;
	s25 =	simm.s32 $0x4  }
0x13: {  	v0 =	vimm.f32 $0.0e+00;
	s24 =	sadd.s32 s26, s0;
	s26 =	simm.s32 $0xBF40;
	s0 =	simm.s32 $0xB  }
.LBB2_1:
0x14: {  	s3 =	simm.s32 $0x0;
	s4 =	rddreg [dreg:$0x3]  }
0x15: {  	[tilespmem:s3], [sflag:$0x1] =	stream.linear.gather [hbm4b:s4+s3], $0x5000, $0x38;
	[tilespmem:$0x1FC40] =	vst v63  }
0x16: {  	s5 =	simm.s32 $0x5000;
	s4 =	rddreg [dreg:$0x4]  }
0x17: {  	[tilespmem:s5], [sflag:$0x2] =	stream.linear.gather [hbm4b:s4+s3], $0x5000, $0x38;
	[tilespmem:$0x1FC40] =	vst v63  }
0x18: {  	s4 =	simm.s32 $0x100;
	s3 =	simm.s32 $0x0  }
.LBB2_2:
0x19: {  	p0 =	sne.s32 s4, $0x7F00;
	[tilespmem:s3+$0x13C70] =	vst v0;
	s5 =	smov.u32 s4;
	s4 =	sadd.s32 $0x100, s4  }
.Ltmp0:
0x1a: {  	[tilespmem:s3+$0x13C60] =	vst v0;
	(pc) =	sbr.rel @p0 .LBB2_2-.Ltmp0, $3  }
0x1b: {  	[tilespmem:s3+$0x13C40] =	vst v0  }
0x1c: {  	[tilespmem:s3+$0x13C50] =	vst v0;
	_ =	sdelay $0x1  }
0x1d: {  	s3 =	sshra.s32 s5, $0x2  }
0x1e: {  	[tilespmem:s3+$0x13C70] =	vst v0  }
0x1f: {  	[tilespmem:s3+$0x13C60] =	vst v0  }
0x20: {  	[tilespmem:s3+$0x13C40] =	vst v0  }
0x21: {  	[tilespmem:s3+$0x13C50] =	vst v0  }
0x22: {  	[spmem:s6] =	stream.linear.scatter [tilespmem:s14], [sflag:$0x6], $0x2000, $0x38;
	[tilespmem:$0x1FC40] =	vst v63  }
0x23: {  	_ = 	snop  }
0x24: {  	[spmem:s7] =	stream.linear.scatter [tilespmem:s14], [sflag:$0x7], $0x2000, $0x38;
	[tilespmem:$0x1FC40] =	vst v63  }
0x25: {  	_ = 	snop  }
0x26: {  	[spmem:s8] =	stream.linear.scatter [tilespmem:s14], [sflag:$0x8], $0x2000, $0x38;
	[tilespmem:$0x1FC40] =	vst v63  }
0x27: {  	_ = 	snop  }
0x28: {  	[spmem:s9] =	stream.linear.scatter [tilespmem:s14], [sflag:$0x9], $0x2000, $0x38;
	[tilespmem:$0x1FC40] =	vst v63  }
0x29: {  	_ = 	snop  }
0x2a: {  	[spmem:s10] =	stream.linear.scatter [tilespmem:s14], [sflag:$0xA], $0x2000, $0x38;
	[tilespmem:$0x1FC40] =	vst v63  }
0x2b: {  	_ =	swait.ge [sflag:s15], $0x5000  }
0x2c: {  	[sflag:s15] =	ssyncset.done $0x0  }
0x2d: {  	[sflag:s15] =	ssyncadd.s32 $0xFFFFB000  }
0x2e: {  	_ =	swait.ge [sflag:s16], $0x5000  }
0x2f: {  	[sflag:s16] =	ssyncset.done $0x0  }
0x30: {  	[sflag:s16] =	ssyncadd.s32 $0xFFFFB000  }
0x31: {  	_ =	swait.ge [sflag:s17], $0x2000  }
0x32: {  	[sflag:s17] =	ssyncset.done $0x0  }
0x33: {  	[sflag:s17] =	ssyncadd.s32 $0xFFFFE000  }
0x34: {  	_ =	swait.ge [sflag:s18], $0x2000  }
0x35: {  	[sflag:s18] =	ssyncset.done $0x0  }
0x36: {  	[sflag:s18] =	ssyncadd.s32 $0xFFFFE000  }
0x37: {  	_ =	swait.ge [sflag:s19], $0x2000  }
0x38: {  	[sflag:s19] =	ssyncset.done $0x0  }
0x39: {  	[sflag:s19] =	ssyncadd.s32 $0xFFFFE000  }
0x3a: {  	_ =	swait.ge [sflag:s20], $0x2000  }
0x3b: {  	[sflag:s20] =	ssyncset.done $0x0  }
0x3c: {  	[sflag:s20] =	ssyncadd.s32 $0xFFFFE000  }
0x3d: {  	_ =	swait.ge [sflag:s21], $0x2000  }
0x3e: {  	[sflag:s21] =	ssyncset.done $0x0  }
0x3f: {  	[sflag:s21] =	ssyncadd.s32 $0xFFFFE000  }
0x40: {  	s4 =	simm.s32 $0x0;
	[bflag:$0x0] =	sbarrier.arrive $0xFFFF  }
0x41: {  	[tilespmem:s23], [sflag:$0x1] =	stream.indirect.gather [hbm4b:s11+s22], $0x40, s4, s22, $0xb8;
	[tilespmem:$0x1FC40] =	vst v63  }
0x42: {  	s5 =	simm.s32 $0x80  }
0x43: {  	[tilespmem:s26], [sflag:$0x2] =	stream.indirect.gather [hbm4b:s11+s22], $0x40, s5, s22, $0xb8;
	[tilespmem:$0x1FC40] =	vst v63  }
0x44: {  	s4 =	simm.s32 $0x100  }
0x45: {  	[tilespmem:s29], [sflag:$0x3] =	stream.indirect.gather [hbm4b:s11+s22], $0x40, s4, s22, $0xb8;
	[tilespmem:$0x1FC40] =	vst v63  }
0x46: {  	s5 =	simm.s32 $0x180  }
0x47: {  	[tilespmem:s31], [sflag:$0x4] =	stream.indirect.gather [hbm4b:s11+s22], $0x40, s5, s22, $0xb8;
	[tilespmem:$0x1FC40] =	vst v63  }
0x48: {  	s4 =	simm.s32 $0x200  }
0x49: {  	[tilespmem:s13], [sflag:$0x5] =	stream.indirect.gather [hbm4b:s11+s22], $0x40, s4, s22, $0xb8;
	[tilespmem:$0x1FC40] =	vst v63  }
0x4a: {  	_ =	swait.ge [sflag:s15], $0x1F40  }
0x4b: {  	[sflag:s15] =	ssyncset.done $0x0  }
0x4c: {  	s5 =	simm.s32 $0x5000;
	[sflag:s15] =	ssyncadd.s32 $0xFFFFE0C0  }
0x4d: {  	[spmem:s1] =	stream.indirect.scatter.add.f32 [tilespmem:s23], [sflag:$0x6], $0x40, s5, s22, $0xb8;
	[tilespmem:$0x1FC40] =	vst v63  }
0x4e: {  	_ =	swait.ge [sflag:s16], $0x1F40  }
0x4f: {  	[sflag:s16] =	ssyncset.done $0x0  }
0x50: {  	s4 =	simm.s32 $0x5080;
	[sflag:s16] =	ssyncadd.s32 $0xFFFFE0C0  }
0x51: {  	[spmem:s1] =	stream.indirect.scatter.add.f32 [tilespmem:s26], [sflag:$0x7], $0x40, s4, s22, $0xb8;
	[tilespmem:$0x1FC40] =	vst v63  }
0x52: {  	_ =	swait.ge [sflag:s2], $0x1F40  }
0x53: {  	[sflag:s2] =	ssyncset.done $0x0  }
0x54: {  	s5 =	simm.s32 $0x5100;
	[sflag:s2] =	ssyncadd.s32 $0xFFFFE0C0  }
0x55: {  	[spmem:s1] =	stream.indirect.scatter.add.f32 [tilespmem:s29], [sflag:$0x8], $0x40, s5, s22, $0xb8;
	[tilespmem:$0x1FC40] =	vst v63  }
0x56: {  	_ =	swait.ge [sflag:s25], $0x1F40  }
0x57: {  	[sflag:s25] =	ssyncset.done $0x0  }
0x58: {  	s4 =	simm.s32 $0x5180;
	[sflag:s25] =	ssyncadd.s32 $0xFFFFE0C0  }
0x59: {  	[spmem:s1] =	stream.indirect.scatter.add.f32 [tilespmem:s31], [sflag:$0x9], $0x40, s4, s22, $0xb8;
	[tilespmem:$0x1FC40] =	vst v63  }
0x5a: {  	_ =	swait.ge [sflag:s28], $0x1F40  }
0x5b: {  	[sflag:s28] =	ssyncset.done $0x0  }
0x5c: {  	s5 =	simm.s32 $0x5200;
	[sflag:s28] =	ssyncadd.s32 $0xFFFFE0C0  }
0x5d: {  	[spmem:s1] =	stream.indirect.scatter.add.f32 [tilespmem:s13], [sflag:$0xA], $0x40, s5, s22, $0xb8;
	[tilespmem:$0x1FC40] =	vst v63  }
0x5e: {  	_ =	swait.ge [sflag:s17], $0x1F40  }
0x5f: {  	[sflag:s17] =	ssyncset.done $0x0  }
0x60: {  	s4 =	simm.s32 $0x280;
	[sflag:s17] =	ssyncadd.s32 $0xFFFFE0C0  }
0x61: {  	[tilespmem:s23], [sflag:$0x1] =	stream.indirect.gather [hbm4b:s11+s22], $0x40, s4, s22, $0xb8;
	[tilespmem:$0x1FC40] =	vst v63  }
0x62: {  	_ =	swait.ge [sflag:s18], $0x1F40  }
0x63: {  	[sflag:s18] =	ssyncset.done $0x0  }
0x64: {  	s5 =	simm.s32 $0x300;
	[sflag:s18] =	ssyncadd.s32 $0xFFFFE0C0  }
0x65: {  	[tilespmem:s26], [sflag:$0x2] =	stream.indirect.gather [hbm4b:s11+s22], $0x40, s5, s22, $0xb8;
	[tilespmem:$0x1FC40] =	vst v63  }
0x66: {  	_ =	swait.ge [sflag:s19], $0x1F40  }
0x67: {  	[sflag:s19] =	ssyncset.done $0x0  }
0x68: {  	s4 =	simm.s32 $0x380;
	[sflag:s19] =	ssyncadd.s32 $0xFFFFE0C0  }
0x69: {  	[tilespmem:s29], [sflag:$0x3] =	stream.indirect.gather [hbm4b:s11+s22], $0x40, s4, s22, $0xb8;
	[tilespmem:$0x1FC40] =	vst v63  }
0x6a: {  	_ =	swait.ge [sflag:s20], $0x1F40  }
0x6b: {  	[sflag:s20] =	ssyncset.done $0x0  }
0x6c: {  	s5 =	simm.s32 $0x400;
	[sflag:s20] =	ssyncadd.s32 $0xFFFFE0C0  }
0x6d: {  	[tilespmem:s31], [sflag:$0x4] =	stream.indirect.gather [hbm4b:s11+s22], $0x40, s5, s22, $0xb8;
	[tilespmem:$0x1FC40] =	vst v63  }
0x6e: {  	_ =	swait.ge [sflag:s21], $0x1F40  }
0x6f: {  	[sflag:s21] =	ssyncset.done $0x0  }
0x70: {  	s3 =	simm.s32 $0xA00;
	s4 =	simm.s32 $0x480;
	[sflag:s21] =	ssyncadd.s32 $0xFFFFE0C0  }
.LBB2_4:
0x71: {  	[tilespmem:s13], [sflag:$0x5] =	stream.indirect.gather [hbm4b:s11+s22], $0x40, s4, s22, $0xb8;
	[tilespmem:$0x1FC40] =	vst v63  }
0x72: {  	s4 =	smov.u32 s3  }
0x73: {  	p0 =	sne.s32 s3, $0x12C00;
	s3 =	sadd.s32 $0xA00, s3;
	_ =	swait.ge [sflag:s15], $0x1F40  }
0x74: {  	s4 =	sshra.s32 s4, $0x2;
	[sflag:s15] =	ssyncset.done $0x0  }
0x75: {  	s5 =	sadd.s32 $0x5000, s4;
	[sflag:s15] =	ssyncadd.s32 $0xFFFFE0C0  }
0x76: {  	[spmem:s1] =	stream.indirect.scatter.add.f32 [tilespmem:s23], [sflag:$0x6], $0x40, s5, s22, $0xb8;
	[tilespmem:$0x1FC40] =	vst v63  }
0x77: {  	_ =	swait.ge [sflag:s16], $0x1F40  }
0x78: {  	[sflag:s16] =	ssyncset.done $0x0  }
0x79: {  	s5 =	sadd.s32 $0x5080, s4;
	[sflag:s16] =	ssyncadd.s32 $0xFFFFE0C0  }
0x7a: {  	[spmem:s1] =	stream.indirect.scatter.add.f32 [tilespmem:s26], [sflag:$0x7], $0x40, s5, s22, $0xb8;
	[tilespmem:$0x1FC40] =	vst v63  }
0x7b: {  	_ =	swait.ge [sflag:s2], $0x1F40  }
0x7c: {  	[sflag:s2] =	ssyncset.done $0x0  }
0x7d: {  	s5 =	sadd.s32 $0x5100, s4;
	[sflag:s2] =	ssyncadd.s32 $0xFFFFE0C0  }
0x7e: {  	[spmem:s1] =	stream.indirect.scatter.add.f32 [tilespmem:s29], [sflag:$0x8], $0x40, s5, s22, $0xb8;
	[tilespmem:$0x1FC40] =	vst v63  }
0x7f: {  	_ =	swait.ge [sflag:s25], $0x1F40  }
0x80: {  	[sflag:s25] =	ssyncset.done $0x0  }
0x81: {  	s5 =	sadd.s32 $0x5180, s4;
	[sflag:s25] =	ssyncadd.s32 $0xFFFFE0C0  }
0x82: {  	[spmem:s1] =	stream.indirect.scatter.add.f32 [tilespmem:s31], [sflag:$0x9], $0x40, s5, s22, $0xb8;
	[tilespmem:$0x1FC40] =	vst v63  }
0x83: {  	_ =	swait.ge [sflag:s28], $0x1F40  }
0x84: {  	[sflag:s28] =	ssyncset.done $0x0  }
0x85: {  	s5 =	sadd.s32 $0x5200, s4;
	[sflag:s28] =	ssyncadd.s32 $0xFFFFE0C0  }
0x86: {  	[spmem:s1] =	stream.indirect.scatter.add.f32 [tilespmem:s13], [sflag:$0xA], $0x40, s5, s22, $0xb8;
	[tilespmem:$0x1FC40] =	vst v63  }
0x87: {  	_ =	swait.ge [sflag:s17], $0x1F40  }
0x88: {  	[sflag:s17] =	ssyncset.done $0x0  }
0x89: {  	s5 =	sadd.s32 $0x280, s4;
	[sflag:s17] =	ssyncadd.s32 $0xFFFFE0C0  }
0x8a: {  	[tilespmem:s23], [sflag:$0x1] =	stream.indirect.gather [hbm4b:s11+s22], $0x40, s5, s22, $0xb8;
	[tilespmem:$0x1FC40] =	vst v63  }
0x8b: {  	_ =	swait.ge [sflag:s18], $0x1F40  }
0x8c: {  	[sflag:s18] =	ssyncset.done $0x0  }
0x8d: {  	s5 =	sadd.s32 $0x300, s4;
	[sflag:s18] =	ssyncadd.s32 $0xFFFFE0C0  }
0x8e: {  	[tilespmem:s26], [sflag:$0x2] =	stream.indirect.gather [hbm4b:s11+s22], $0x40, s5, s22, $0xb8;
	[tilespmem:$0x1FC40] =	vst v63  }
0x8f: {  	_ =	swait.ge [sflag:s19], $0x1F40  }
0x90: {  	[sflag:s19] =	ssyncset.done $0x0  }
0x91: {  	s5 =	sadd.s32 $0x380, s4;
	[sflag:s19] =	ssyncadd.s32 $0xFFFFE0C0  }
0x92: {  	[tilespmem:s29], [sflag:$0x3] =	stream.indirect.gather [hbm4b:s11+s22], $0x40, s5, s22, $0xb8;
	[tilespmem:$0x1FC40] =	vst v63  }
0x93: {  	_ =	swait.ge [sflag:s20], $0x1F40  }
0x94: {  	[sflag:s20] =	ssyncset.done $0x0  }
.Ltmp1:
0x95: {  	s5 =	sadd.s32 $0x400, s4;
	[sflag:s20] =	ssyncadd.s32 $0xFFFFE0C0;
	(pc) =	sbr.rel @p0 .LBB2_4-.Ltmp1, $4  }
0x96: {  	[tilespmem:s31], [sflag:$0x4] =	stream.indirect.gather [hbm4b:s11+s22], $0x40, s5, s22, $0xb8;
	[tilespmem:$0x1FC40] =	vst v63  }
0x97: {  	_ =	swait.ge [sflag:s21], $0x1F40  }
0x98: {  	[sflag:s21] =	ssyncset.done $0x0  }
0x99: {  	s4 =	sadd.s32 $0x480, s4;
	[sflag:s21] =	ssyncadd.s32 $0xFFFFE0C0  }
0x9a: {  	[tilespmem:s13], [sflag:$0x5] =	stream.indirect.gather [hbm4b:s11+s22], $0x40, s4, s22, $0xb8;
	[tilespmem:$0x1FC40] =	vst v63  }
0x9b: {  	_ =	swait.ge [sflag:s15], $0x1F40  }
0x9c: {  	[sflag:s15] =	ssyncset.done $0x0  }
0x9d: {  	s3 =	simm.s32 $0x9D80;
	[sflag:s15] =	ssyncadd.s32 $0xFFFFE0C0  }
0x9e: {  	[spmem:s1] =	stream.indirect.scatter.add.f32 [tilespmem:s23], [sflag:$0x6], $0x40, s3, s22, $0xb8;
	[tilespmem:$0x1FC40] =	vst v63  }
0x9f: {  	_ =	swait.ge [sflag:s16], $0x1F40  }
0xa0: {  	[sflag:s16] =	ssyncset.done $0x0  }
0xa1: {  	s4 =	simm.s32 $0x9E00;
	[sflag:s16] =	ssyncadd.s32 $0xFFFFE0C0  }
0xa2: {  	[spmem:s1] =	stream.indirect.scatter.add.f32 [tilespmem:s26], [sflag:$0x7], $0x40, s4, s22, $0xb8;
	[tilespmem:$0x1FC40] =	vst v63  }
0xa3: {  	_ =	swait.ge [sflag:s2], $0x1F40  }
0xa4: {  	[sflag:s2] =	ssyncset.done $0x0  }
0xa5: {  	s5 =	simm.s32 $0x9E80;
	[sflag:s2] =	ssyncadd.s32 $0xFFFFE0C0  }
0xa6: {  	[spmem:s1] =	stream.indirect.scatter.add.f32 [tilespmem:s29], [sflag:$0x8], $0x40, s5, s22, $0xb8;
	[tilespmem:$0x1FC40] =	vst v63  }
0xa7: {  	_ =	swait.ge [sflag:s25], $0x1F40  }
0xa8: {  	[sflag:s25] =	ssyncset.done $0x0  }
0xa9: {  	s4 =	simm.s32 $0x9F00;
	[sflag:s25] =	ssyncadd.s32 $0xFFFFE0C0  }
0xaa: {  	[spmem:s1] =	stream.indirect.scatter.add.f32 [tilespmem:s31], [sflag:$0x9], $0x40, s4, s22, $0xb8;
	[tilespmem:$0x1FC40] =	vst v63  }
0xab: {  	_ =	swait.ge [sflag:s28], $0x1F40  }
0xac: {  	[sflag:s28] =	ssyncset.done $0x0  }
0xad: {  	s5 =	simm.s32 $0x9F80;
	[sflag:s28] =	ssyncadd.s32 $0xFFFFE0C0  }
0xae: {  	[spmem:s1] =	stream.indirect.scatter.add.f32 [tilespmem:s13], [sflag:$0xA], $0x40, s5, s22, $0xb8;
	[tilespmem:$0x1FC40] =	vst v63  }
0xaf: {  	_ =	swait.ge [sflag:s17], $0x1F40  }
0xb0: {  	[sflag:s17] =	ssyncset.done $0x0  }
0xb1: {  	[sflag:s17] =	ssyncadd.s32 $0xFFFFE0C0  }
0xb2: {  	_ =	swait.ge [sflag:s18], $0x1F40  }
0xb3: {  	[sflag:s18] =	ssyncset.done $0x0  }
0xb4: {  	[sflag:s18] =	ssyncadd.s32 $0xFFFFE0C0  }
0xb5: {  	_ =	swait.ge [sflag:s19], $0x1F40  }
0xb6: {  	[sflag:s19] =	ssyncset.done $0x0  }
0xb7: {  	[sflag:s19] =	ssyncadd.s32 $0xFFFFE0C0  }
0xb8: {  	_ =	swait.ge [sflag:s20], $0x1F40  }
0xb9: {  	[sflag:s20] =	ssyncset.done $0x0  }
0xba: {  	[sflag:s20] =	ssyncadd.s32 $0xFFFFE0C0  }
0xbb: {  	s4 =	stileid.u32;
	_ =	swait.ge [sflag:s21], $0x1F40  }
0xbc: {  	s30 =	sadd.s32 $0x1, s30;
	s3 =	sshll.u32 s4, $0x6;
	[sflag:s21] =	ssyncset.done $0x0  }
0xbd: {  	p0 =	sne.s32 s30, s12;
	s3 =	sor.u32 $0x1C0B, s3;
	[sflag:s21] =	ssyncadd.s32 $0xFFFFE0C0  }
.Ltmp2:
0xbe: {  	s5 =	sshrl.u32 s6, $0x3;
	[bflag:$0x0] =	sbarrier.arrive $0xFFFF;
	(pc) =	sbr.rel @p0 .LBB2_1-.Ltmp2, $4  }
0xbf: {  	[hbm:s24], [sflag:s3] =	dma.local [spmem:s5], $0x1400  }
0xc0: {  	_ =	swait.ge [sflag:s0], $0x1400  }
0xc1: {  	[sflag:s0] =	ssyncset.done $0x0  }
0xc2: {  	[sflag:s0] =	ssyncadd.s32 $0xFFFFEC00  }
0xc3: {  	_ =	sfence.sel $0x180000  }
0xc4: {  	[bflag:$0x0] =	sbarrier.arrive $0xFFFF  }
0xc5: {  	_ =	strace $0x9000004A  }
0xc6: {  	s0 =	stileid.u32;
	[bflag:$0x2] =	sbarrier.arrive $0xFFFF  }
0xc7: {  	p0 =	sne.s32 s0, $0x0;
	s0 =	rddreg [dreg:$0x2]  }
0xc8: {  	s0 =	sadd.s32 @!p0 $0x100000, s0  }
0xc9: {  	[sflag:s0] =	ssyncadd.tile.s32 @!p0 $0x1;
	_ =	shalt  }
.Lfunc_end2:
_tile_overlayer_lowered:
.L_overlay_start_2:
0xca: {  	(tag) =	ssettag $0x2  }
0xcb: {  	s0 =	rddreg [dreg:$0x0];
	s2 =	stileid.u32  }
0xcc: {  	s1 =	rddreg [dreg:$0x1];
	p0 =	sne.s32 s2, $0x0  }
0xcd: {  	s3 =	rddreg [dreg:$0x2];
	[bflag:$0x3] =	sbarrier.arrive $0xFFFF;
	s2 =	simm.s32 @!p0 $0x1C0B  }
0xce: {  	[timem:s3], [sflag:s2] =	dma.local @!p0 [hbm:s0], s1  }
0xcf: {  	s0 =	simm.s32 @!p0 $0xB  }
0xd0: {  	_ =	swait.ge @!p0 [sflag:s0], s1  }
0xd1: {  	s1 =	ssub.s32 @!p0 $0x0, s1;
	[sflag:s0] =	ssyncset.done @!p0 $0x0  }
0xd2: {  	[sflag:s0] =	ssyncadd.s32 @!p0 s1  }
0xd3: {  	[bflag:$0x3] =	sbarrier.arrive $0xFFFF  }
0xd4: {  	_ =	shalt  }

// kernel: kernel.4.cloned.1.call-start
scs
__scs_entry_jumppad:
0x0: {  	(pc) =	sbr.rel $0x88, $3  }
0x1: {  	(tag) =	ssettag $0x0;
	lr =	simm.s32 $0x1  }
0x2: {  	[smem:$0x3F98] =	sst lr;
	_ =	strace $0xD0000000  }
0x3: {  	_ = 	snop  }
0x4: {  	_ = 	snop  }
0x5: {  	_ = 	snop  }
0x6: {  	_ = 	snop  }
0x7: {  	_ = 	snop  }
__scs_overlays_trampoline_lowered:
0x8: {  	[smem:$0x3FA7] =	sst s0  }
0x9: {  	[smem:$0x3FA8] =	sst s1  }
0xa: {  	[smem:$0x3FA9] =	sst s2  }
0xb: {  	[smem:$0x3FAA] =	sst s3  }
0xc: {  	[smem:$0x3FAB] =	sst s4  }
0xd: {  	[smem:$0x3FAC] =	sst s5  }
0xe: {  	[smem:$0x3FAD] =	sst s6  }
0xf: {  	[smem:$0x3FAE] =	sst s7  }
0x10: {  	[smem:$0x3FAF] =	sst s8  }
0x11: {  	[smem:$0x3FB0] =	sst s9;
	s0 =	simm.s32 @!p0 $0x0  }
0x12: {  	s1 =	sld [smem:$0x3F96];
	s0 =	simm.s32 @p0 $0x1  }
0x13: {  	[smem:$0x3FB1] =	sst s0;
	s0 =	simm.s32 @!p1 $0x0  }
0x14: {  	s2 =	sld [smem:$0x3F95];
	s0 =	simm.s32 @p1 $0x1  }
0x15: {  	[smem:$0x3FB2] =	sst s0;
	s0 =	simm.s32 @!p2 $0x0  }
0x16: {  	s3 =	sld [smem:$0x3FDB];
	s0 =	simm.s32 @p2 $0x1  }
0x17: {  	s4 =	simm.s32 $0x1BF5;
	[smem:$0x3FB4] =	sst s0  }
0x18: {  	s0 =	sld [smem:$0x3F97];
	_ =	swait.ge [sflag:s4], $0x0  }
0x19: {  	s7 =	sld [smem:$0x3F98]  }
0x1a: {  	s8 =	sadd.s32 $0xFFFFE003, lr  }
0x1b: {  	s9 =	sadd.s32 $0xFFFFFEF7, lr;
	s5 =	simm.s32 $0xFFFFFFFF;
	p2 =	slt.u32 s8, $0xFFFFF086  }
0x1c: {  	p1 =	slt.u32 s9, $0xF7A;
	s5 =	simm.s32 @!p2 $0x0  }
0x1d: {  	s5 =	simm.s32 @p1 $0x1;
	p0 =	seq.s32 s7, s2  }
0x1e: {  	s7 =	smul.u32 @!p0 $0xF7A, s2;
	p2 =	seq.s32 @!p0 s5, $0x0  }
0x1f: {  	s9 =	smul.u32 $0xF7A, s1;
	s8 =	simm.s32 @!p0 $0x1BF5;
	p2 =	por !p2, p0  }
0x20: {  	[sflag:s8] =	ssyncset.s32 @!p0 $0xFFFFF086;
	s6 =	sadd.s32 @!p0 s3, s7;
	s7 =	simm.s32 @!p0 $0x108  }
0x21: {  	s3 =	sadd.s32 s3, s9;
	s6 =	sadd.s32 @!p0 $0x88, s6;
	s7 =	simm.s32 @p2 $0x1082  }
0x22: {  	[simem:s7], [sflag:s8] =	dma.local @!p0 [hbm:s6], $0xF7A  }
0x23: {  	s9 =	sor.u32 $0xD0000000, s2;
	s6 =	simm.s32 $0x108;
	_ =	swait.ge @!p0 [sflag:s8], $0x0  }
0x24: {  	s3 =	sadd.s32 $0x88, s3;
	s6 =	simm.s32 @!p1 $0x1082;
	[sflag:s4] =	ssyncset.s32 $0xFFFFF086  }
0x25: {  	[simem:s6], [sflag:s4] =	dma.local [hbm:s3], $0xF7A  }
0x26: {  	[smem:$0x3F98] =	sst s1;
	(tag) =	ssettag s2;
	_ =	strace s9  }
0x27: {  	s1 =	sld [smem:$0x3FA8]  }
0x28: {  	s2 =	sld [smem:$0x3FA9]  }
0x29: {  	s4 =	sld [smem:$0x3FAB]  }
0x2a: {  	p0 =	seq.s32 s5, $0x0;
	s5 =	sld [smem:$0x3FAC]  }
0x2b: {  	s6 =	sld [smem:$0x3FAD]  }
0x2c: {  	s7 =	sld [smem:$0x3FAE]  }
0x2d: {  	s3 =	simm.s32 $0x108;
	s8 =	sld [smem:$0x3FAF]  }
0x2e: {  	s3 =	simm.s32 @!p0 $0x1082;
	s9 =	sld [smem:$0x3FB0]  }
0x2f: {  	lr =	sadd.s32 s0, s3;
	s0 =	sld [smem:$0x3FA7]  }
0x30: {  	s3 =	sld [smem:$0x3FAA]  }
0x31: {  	[smem:$0x3FB3] =	sst s10  }
0x32: {  	s10 =	sld [smem:$0x3FB1];
	_ =	sdelay $0x3  }
0x33: {  	p0 =	seq.s32 s10, $0x1;
	s10 =	sld [smem:$0x3FB3];
	_ =	sdelay $0x3  }
0x34: {  	[smem:$0x3FB3] =	sst s10  }
0x35: {  	s10 =	sld [smem:$0x3FB2];
	_ =	sdelay $0x3  }
0x36: {  	p1 =	seq.s32 s10, $0x1;
	s10 =	sld [smem:$0x3FB3];
	_ =	sdelay $0x3  }
0x37: {  	[smem:$0x3FB3] =	sst s10  }
0x38: {  	s10 =	sld [smem:$0x3FB4]  }
0x39: {  	_ = 	snop;
	(pc) =	sbr.ind lr, $3  }
0x3a: {  	_ = 	snop  }
0x3b: {  	_ = 	snop  }
0x3c: {  	p2 =	seq.s32 s10, $0x1;
	s10 =	sld [smem:$0x3FB3]  }
0x3d: {  	_ =	shalt  }
0x3e: {  	_ =	shalt  }
0x3f: {  	_ =	shalt  }
0x40: {  	_ =	shalt  }
0x41: {  	_ =	shalt  }
0x42: {  	_ =	shalt  }
0x43: {  	_ =	shalt  }
0x44: {  	_ =	shalt  }
0x45: {  	_ =	shalt  }
0x46: {  	_ =	shalt  }
0x47: {  	_ =	shalt  }
0x48: {  	_ =	shalt  }
0x49: {  	_ =	shalt  }
0x4a: {  	_ =	shalt  }
0x4b: {  	_ =	shalt  }
0x4c: {  	_ =	shalt  }
0x4d: {  	_ =	shalt  }
0x4e: {  	_ =	shalt  }
0x4f: {  	_ =	shalt  }
0x50: {  	_ =	shalt  }
0x51: {  	_ =	shalt  }
0x52: {  	_ =	shalt  }
0x53: {  	_ =	shalt  }
0x54: {  	_ =	shalt  }
0x55: {  	_ =	shalt  }
0x56: {  	_ =	shalt  }
0x57: {  	_ =	shalt  }
0x58: {  	_ =	shalt  }
0x59: {  	_ =	shalt  }
0x5a: {  	_ =	shalt  }
0x5b: {  	_ =	shalt  }
0x5c: {  	_ =	shalt  }
0x5d: {  	_ =	shalt  }
0x5e: {  	_ =	shalt  }
0x5f: {  	_ =	shalt  }
0x60: {  	_ =	shalt  }
0x61: {  	_ =	shalt  }
0x62: {  	_ =	shalt  }
0x63: {  	_ =	shalt  }
0x64: {  	_ =	shalt  }
0x65: {  	_ =	shalt  }
0x66: {  	_ =	shalt  }
0x67: {  	_ =	shalt  }
0x68: {  	_ =	shalt  }
0x69: {  	_ =	shalt  }
0x6a: {  	_ =	shalt  }
0x6b: {  	_ =	shalt  }
0x6c: {  	_ =	shalt  }
0x6d: {  	_ =	shalt  }
0x6e: {  	_ =	shalt  }
0x6f: {  	_ =	shalt  }
0x70: {  	_ =	shalt  }
0x71: {  	_ =	shalt  }
0x72: {  	_ =	shalt  }
0x73: {  	_ =	shalt  }
0x74: {  	_ =	shalt  }
0x75: {  	_ =	shalt  }
0x76: {  	_ =	shalt  }
0x77: {  	_ =	shalt  }
0x78: {  	_ =	shalt  }
0x79: {  	_ =	shalt  }
0x7a: {  	_ =	shalt  }
0x7b: {  	_ =	shalt  }
0x7c: {  	_ =	shalt  }
0x7d: {  	_ =	shalt  }
0x7e: {  	_ =	shalt  }
0x7f: {  	_ =	shalt  }
0x80: {  	_ =	shalt  }
0x81: {  	_ =	shalt  }
0x82: {  	_ =	shalt  }
0x83: {  	_ =	shalt  }
0x84: {  	_ =	shalt  }
0x85: {  	_ =	shalt  }
0x86: {  	_ =	shalt  }
0x87: {  	_ =	shalt  }
.Lfunc_end0:
.L_simem_size_0:
called_computation.1_lowered:
.L_overlay_start_0:
0x88: {  	s2 =	sld [smem:$0x3FD9]  }
0x89: {  	s3 =	sld [smem:$0x3FFE];
	_ =	sdelay $0x1  }
0x8a: {  	s1 =	srdreg.scid  }
0x8b: {  	s0 =	sand.u32 $0x1, s1  }
0x8c: {  	s16 =	sshll.u32 s0, $0xA;
	s2 =	sadd.s32 s3, s2  }
0x8d: {  	s2 =	sadd.s32 s2, s16  }
0x8e: {  	[smem:$0x3FBF] =	sst s2  }
0x8f: {  	_ = 	snop  }
0x90: {  	(tm) =	ssettm $0x1  }
0x91: {  	s17 =	sld [smem:$0x3FFB];
	_ =	sdelay $0x3  }
0x92: {  	_ =	strace s17  }
0x93: {  	s2 =	sld [smem:$0x3FFC];
	_ =	sdelay $0x3  }
0x94: {  	_ =	strace s2  }
0x95: {  	s2 =	sld [smem:$0x3FFD];
	_ =	sdelay $0x3  }
0x96: {  	_ =	strace s2  }
0x97: {  	_ =	strace $0x8FFFFFFF  }
0x98: {  	s18 =	sld [smem:$0x3FDB];
	_ =	sdelay $0x1  }
0x99: {  	s19 =	simm.s32 $_scs_section_size  }
0x9a: {  	s4 =	simm.s32 $_size__tile_overlayer_lowered;
	s5 =	simm.s32 $_tile_overlayer_lowered  }
0x9b: {  	s22 =	simm.s32 $0x1BFF;
	s21 =	sshll.u32 s5, $0x1;
	s2 =	sadd.s32 s19, s18  }
0x9c: {  	s6 =	simm.s32 $0x0;
	s20 =	sshll.u32 s4, $0x1;
	s4 =	sadd.s32 s21, s2  }
0x9d: {  	[timem:s6], [sflag:s22] =	dma.local [hbm:s4], s20  }
0x9e: {  	_ =	swait.ge [sflag:s22], s20  }
0x9f: {  	s3 =	ssub.s32 $0x0, s20;
	[sflag:s22] =	ssyncset.done $0x0  }
0xa0: {  	[sflag:s22] =	ssyncadd.s32 s3;
	_ =	sdelay $0x1  }
0xa1: {  	s23 =	simm.s32 $0x1B8B  }
0xa2: {  	_ =	swait.ge [sflag:s23], $0x1  }
0xa3: {  	[sflag:s23] =	ssyncset.done $0x0  }
0xa4: {  	s25 =	simm.s32 $0x1B8E;
	s24 =	sld [smem:$0x3FFE];
	[sflag:s23] =	ssyncadd.s32 $0xFFFFFFFF  }
0xa5: {  	s26 =	simm.s32 $execute0_lowered;
	[smem:$0x3FD2] =	sst s25  }
0xa6: {  	s4 =	sshll.u32 s26, $0x1;
	_ =	strace $0x80000046;
	[dreg:$0x1] =	wrdreg $0xFFFFFFFF  }
0xa7: {  	s28 =	simm.s32 $_size_execute0_lowered;
	s2 =	sadd.s32 s2, s4;
	[dreg:$0x0] =	wrdreg $0x0  }
0xa8: {  	s4 =	sshll.u32 s28, $0x1;
	[dreg:$0x2] =	wrdreg s2  }
0xa9: {  	[dreg:$0x3] =	wrdreg s4  }
0xaa: {  	[dreg:$0x4] =	wrdreg $0xC0  }
0xab: {  	_ =	task [dreg:s6], $0x5FFFF  }
0xac: {  	[dreg:$0x1] =	wrdreg $0xFFFFFFFF  }
0xad: {  	[dreg:$0x0] =	wrdreg $0x60  }
0xae: {  	[dreg:$0x2] =	wrdreg s24  }
0xaf: {  	[dreg:$0x3] =	wrdreg $0x37D00  }
0xb0: {  	[dreg:$0x4] =	wrdreg $0x9  }
0xb1: {  	_ =	task.clear_ibuf [dreg:s6], $0x5FFFF;
	_ =	strace $0x90000046  }
0xb2: {  	s29 =	simm.s32 $0x9;
	_ =	strace $0x80000048  }
0xb3: {  	_ =	swait.ge [sflag:s29], $0x1  }
0xb4: {  	[sflag:s29] =	ssyncadd.s32 $0xFFFFFFFF  }
0xb5: {  	_ =	strace $0x90000048  }
0xb6: {  	_ =	sfence  }
0xb7: {  	s30 =	sld [smem:$0x0];
	_ =	sdelay $0x2  }
0xb8: {  	s31 =	sshll.u32 s1, $0xD;
	s1 =	sshrl.u32 s1, $0x2  }
0xb9: {  	s3 =	sand.u32 $0x4000, s31;
	s1 =	sadd.s32 s1, s30  }
0xba: {  	s0 =	sor.u32 s3, s0;
	s1 =	sshll.u32 s1, $0x11  }
0xbb: {  	s0 =	sor.u32 s1, s0  }
0xbc: {  	s0 =	sadd.s32 $0x8F2B, s0  }
0xbd: {  	[sflag:s0] =	ssyncadd.remote.s32 $0x1  }
0xbe: {  	_ =	sfence.sel $0xFFFF  }
0xbf: {  	[dreg:$0x0] =	wrdreg $0xFFFFFFFF;
	(pc) =	sbr.abs _section_cstart, $3  }
0xc0: {  	[dreg:$0x1] =	wrdreg $0xFFFFFFFF  }
0xc1: {  	_ =	task.clear_ibuf [dreg:s6], $0x2FFFF;
	_ =	strace $0x9FFFFFFF  }
0xc2: {  	(tm) =	ssettm $0x7FFFFFFF  }
0xc3: {  	_ =	shalt  }
tec
execute0_lowered:
.L_overlay_start_1:
0x0: {  	(tag) =	ssettag $0x1  }
0x1: {  	s0 =	srdreg.scid;
	s5 =	rddreg [dreg:$0x0]  }
0x2: {  	s2 =	rddreg [dreg:$0x1];
	s3 =	simm.s32 $0x0;
	s13 =	simm.s32 $0x7D  }
0x3: {  	s14 =	simm.s32 $0x2800;
	s18 =	simm.s32 $0x2;
	s4 =	sand.u32 $0x1, s0  }
0x4: {  	s19 =	simm.s32 $0x0;
	s0 =	stileid.u32;
	s7 =	smul.u32 $0x5000, s4  }
0x5: {  	[smem:$0x7FF] =	sst s3;
	s1 =	sshll.u32 s4, $0x4;
	s8 =	smul.u32 $0xA000, s0  }
0x6: {  	s4 =	ssub.s32 $0x2, s4;
	s11 =	smul.u32 $0x2800, s0;
	s17 =	sshll.u32 s0, $0x6  }
0x7: {  	s6 =	sor.u32 s0, s1;
	s1 =	rddreg [dreg:$0x2];
	_ =	strace $0x80000047  }
0x8: {  	s30 =	sshrl.u32 s4, $0x1;
	s6 =	smul.u32 $0x500, s6;
	s10 =	sadd.s32 s7, s5  }
0x9: {  	s31 =	sshrl.u32 s8, $0x2;
	s12 =	ssub.s32 s4, s30;
	s16 =	sshrl.u32 s11, $0x3  }
0xa: {  	s9 =	sadd.s32 s31, s2;
	s15 =	sadd.s32 $0xBA00, s10;
	s10 =	smax.u32 s12, $0x1  }
0xb: {  	s12 =	simm.s32 $0x1;
	s6 =	sadd.s32 s6, s5;
	s5 =	sadd.s32 s11, s2  }
0xc: {  	s7 =	sadd.s32 $0x1000, s9;
	s8 =	sadd.s32 $0x1800, s9;
	s11 =	simm.s32 $0x2FD0  }
0xd: {  	s15 =	sadd.s32 s16, s15;
	s16 =	sor.u32 $0x1C02, s17;
	s4 =	sadd.s32 $0x1A00, s6  }
0xe: {  	v0 =	vimm.f32 $1.000000000e+00;
	v1 =	vimm.f32 $0.0e+00;
	s6 =	sadd.s32 $0x800, s9;
	s9 =	sadd.s32 $0x2000, s9;
	s17 =	sshrl.u32 s5, $0x3  }
.LBB2_1:
0xf: {  	[tilespmem:s3], [sflag:$0x1] =	stream.linear.gather [hbm4b:s4+s3], $0x2800, $0x38;
	[tilespmem:$0x5FD0] =	vst v63  }
0x10: {  	s20 =	simm.s32 $0x0  }
.LBB2_2:
0x11: {  	p0 =	sne.s32 s20, $0x1F00  }
.Ltmp0:
0x12: {  	_ = 	snop;
	(pc) =	sbr.rel @p0 .LBB2_2-.Ltmp0, $3  }
0x13: {  	_ =	sdelay $0x1  }
0x14: {  	s21 =	sshra.s32 s20, $0x2  }
0x15: {  	s20 =	sadd.s32 $0x40, s20;
	[tilespmem:s21+$0x2800] =	vst v0  }
0x16: {  	s20 =	simm.s32 $0x40;
	s21 =	simm.s32 $0x0  }
.LBB2_4:
0x17: {  	p0 =	sne.s32 s20, $0x1FC0;
	[tilespmem:s21+$0x2FD0] =	vst v1;
	s21 =	smov.u32 s20;
	s20 =	sadd.s32 $0x40, s20  }
.Ltmp1:
0x18: {  	(pc) =	sbr.rel @p0 .LBB2_4-.Ltmp1, $2  }
0x19: {  	_ =	sdelay $0x2  }
0x1a: {  	s21 =	sshra.s32 s21, $0x2  }
0x1b: {  	[tilespmem:s21+$0x2FD0] =	vst v1  }
0x1c: {  	[spmem:s5] =	stream.linear.scatter [tilespmem:s11], [sflag:$0x1], $0x800, $0x38;
	[tilespmem:$0x5FD0] =	vst v63  }
0x1d: {  	_ = 	snop  }
0x1e: {  	[spmem:s6] =	stream.linear.scatter [tilespmem:s11], [sflag:$0x1], $0x800, $0x38;
	[tilespmem:$0x5FD0] =	vst v63  }
0x1f: {  	_ = 	snop  }
0x20: {  	[spmem:s7] =	stream.linear.scatter [tilespmem:s11], [sflag:$0x1], $0x800, $0x38;
	[tilespmem:$0x5FD0] =	vst v63  }
0x21: {  	_ = 	snop  }
0x22: {  	[spmem:s8] =	stream.linear.scatter [tilespmem:s11], [sflag:$0x1], $0x800, $0x38;
	[tilespmem:$0x5FD0] =	vst v63  }
0x23: {  	_ = 	snop  }
0x24: {  	[spmem:s9] =	stream.linear.scatter [tilespmem:s11], [sflag:$0x1], $0x800, $0x38;
	[tilespmem:$0x5FD0] =	vst v63  }
0x25: {  	_ =	swait.ge [sflag:s12], $0x2800  }
0x26: {  	[sflag:s12] =	ssyncset.done $0x0  }
0x27: {  	[sflag:s12] =	ssyncadd.s32 $0xFFFFD800  }
0x28: {  	_ =	swait.ge [sflag:s12], $0x800  }
0x29: {  	[sflag:s12] =	ssyncset.done $0x0  }
0x2a: {  	[sflag:s12] =	ssyncadd.s32 $0xFFFFF800  }
0x2b: {  	_ =	swait.ge [sflag:s12], $0x800  }
0x2c: {  	[sflag:s12] =	ssyncset.done $0x0  }
0x2d: {  	[sflag:s12] =	ssyncadd.s32 $0xFFFFF800  }
0x2e: {  	_ =	swait.ge [sflag:s12], $0x800  }
0x2f: {  	[sflag:s12] =	ssyncset.done $0x0  }
0x30: {  	[sflag:s12] =	ssyncadd.s32 $0xFFFFF800  }
0x31: {  	_ =	swait.ge [sflag:s12], $0x800  }
0x32: {  	[sflag:s12] =	ssyncset.done $0x0  }
0x33: {  	[sflag:s12] =	ssyncadd.s32 $0xFFFFF800  }
0x34: {  	_ =	swait.ge [sflag:s12], $0x800  }
0x35: {  	[sflag:s12] =	ssyncset.done $0x0  }
0x36: {  	[sflag:s12] =	ssyncadd.s32 $0xFFFFF800  }
0x37: {  	s20 =	simm.s32 $0x0;
	[bflag:$0x0] =	sbarrier.arrive $0xFFFF  }
0x38: {  	[spmem:s2] =	stream.indirect.scatter.add.f32 [tilespmem:s14], [sflag:$0x1], $0x10, s20, s13, $0xb8;
	[tilespmem:$0x5FD0] =	vst v63  }
0x39: {  	s28 =	simm.s32 $0x80  }
0x3a: {  	[spmem:s2] =	stream.indirect.scatter.add.f32 [tilespmem:s14], [sflag:$0x1], $0x10, s28, s13, $0xb8;
	[tilespmem:$0x5FD0] =	vst v63  }
0x3b: {  	s29 =	simm.s32 $0x100  }
0x3c: {  	[spmem:s2] =	stream.indirect.scatter.add.f32 [tilespmem:s14], [sflag:$0x1], $0x10, s29, s13, $0xb8;
	[tilespmem:$0x5FD0] =	vst v63  }
0x3d: {  	s30 =	simm.s32 $0x180  }
0x3e: {  	[spmem:s2] =	stream.indirect.scatter.add.f32 [tilespmem:s14], [sflag:$0x1], $0x10, s30, s13, $0xb8;
	[tilespmem:$0x5FD0] =	vst v63  }
0x3f: {  	s31 =	simm.s32 $0x200  }
0x40: {  	[spmem:s2] =	stream.indirect.scatter.add.f32 [tilespmem:s14], [sflag:$0x1], $0x10, s31, s13, $0xb8;
	[tilespmem:$0x5FD0] =	vst v63  }
0x41: {  	_ =	swait.ge [sflag:s12], $0x7D0  }
0x42: {  	[sflag:s12] =	ssyncset.done $0x0  }
0x43: {  	[sflag:s12] =	ssyncadd.s32 $0xFFFFF830  }
0x44: {  	_ =	swait.ge [sflag:s12], $0x7D0  }
0x45: {  	[sflag:s12] =	ssyncset.done $0x0  }
0x46: {  	[sflag:s12] =	ssyncadd.s32 $0xFFFFF830  }
0x47: {  	_ =	swait.ge [sflag:s12], $0x7D0  }
0x48: {  	[sflag:s12] =	ssyncset.done $0x0  }
0x49: {  	[sflag:s12] =	ssyncadd.s32 $0xFFFFF830  }
0x4a: {  	_ =	swait.ge [sflag:s12], $0x7D0  }
0x4b: {  	[sflag:s12] =	ssyncset.done $0x0  }
0x4c: {  	[sflag:s12] =	ssyncadd.s32 $0xFFFFF830  }
0x4d: {  	_ =	swait.ge [sflag:s12], $0x7D0  }
0x4e: {  	s21 =	simm.s32 $0x1400;
	s20 =	simm.s32 $0xA00;
	[sflag:s12] =	ssyncset.done $0x0  }
.LBB2_6:
0x4f: {  	s22 =	sshra.s32 s20, $0x2  }
0x50: {  	[sflag:s12] =	ssyncadd.s32 $0xFFFFF830;
	s20 =	smov.u32 s21;
	s23 =	sadd.s32 $0xA00, s21  }
0x51: {  	[spmem:s2] =	stream.indirect.scatter.add.f32 [tilespmem:s14], [sflag:$0x1], $0x10, s22, s13, $0xb8;
	[tilespmem:$0x5FD0] =	vst v63  }
0x52: {  	p0 =	sne.s32 s21, $0x9600;
	s21 =	sadd.s32 $0x80, s22  }
0x53: {  	[spmem:s2] =	stream.indirect.scatter.add.f32 [tilespmem:s14], [sflag:$0x1], $0x10, s21, s13, $0xb8;
	[tilespmem:$0x5FD0] =	vst v63  }
0x54: {  	s21 =	sadd.s32 $0x100, s22  }
0x55: {  	[spmem:s2] =	stream.indirect.scatter.add.f32 [tilespmem:s14], [sflag:$0x1], $0x10, s21, s13, $0xb8;
	[tilespmem:$0x5FD0] =	vst v63  }
0x56: {  	s21 =	sadd.s32 $0x180, s22  }
0x57: {  	[spmem:s2] =	stream.indirect.scatter.add.f32 [tilespmem:s14], [sflag:$0x1], $0x10, s21, s13, $0xb8;
	[tilespmem:$0x5FD0] =	vst v63  }
0x58: {  	s21 =	sadd.s32 $0x200, s22  }
0x59: {  	[spmem:s2] =	stream.indirect.scatter.add.f32 [tilespmem:s14], [sflag:$0x1], $0x10, s21, s13, $0xb8;
	[tilespmem:$0x5FD0] =	vst v63  }
0x5a: {  	_ =	swait.ge [sflag:s12], $0x7D0  }
0x5b: {  	[sflag:s12] =	ssyncset.done $0x0  }
0x5c: {  	[sflag:s12] =	ssyncadd.s32 $0xFFFFF830  }
0x5d: {  	_ =	swait.ge [sflag:s12], $0x7D0  }
0x5e: {  	[sflag:s12] =	ssyncset.done $0x0  }
0x5f: {  	[sflag:s12] =	ssyncadd.s32 $0xFFFFF830  }
0x60: {  	_ =	swait.ge [sflag:s12], $0x7D0  }
0x61: {  	[sflag:s12] =	ssyncset.done $0x0  }
0x62: {  	[sflag:s12] =	ssyncadd.s32 $0xFFFFF830  }
.Ltmp2:
0x63: {  	_ =	swait.ge [sflag:s12], $0x7D0;
	(pc) =	sbr.rel @p0 .LBB2_6-.Ltmp2, $4  }
0x64: {  	[sflag:s12] =	ssyncset.done $0x0  }
0x65: {  	[sflag:s12] =	ssyncadd.s32 $0xFFFFF830  }
0x66: {  	_ =	swait.ge [sflag:s12], $0x7D0  }
0x67: {  	s21 =	smov.u32 s23;
	[sflag:s12] =	ssyncset.done $0x0  }
0x68: {  	s20 =	sshra.s32 s20, $0x2;
	[sflag:s12] =	ssyncadd.s32 $0xFFFFF830  }
0x69: {  	[spmem:s2] =	stream.indirect.scatter.add.f32 [tilespmem:s14], [sflag:$0x1], $0x10, s20, s13, $0xb8;
	[tilespmem:$0x5FD0] =	vst v63  }
0x6a: {  	s21 =	sadd.s32 $0x80, s20  }
0x6b: {  	[spmem:s2] =	stream.indirect.scatter.add.f32 [tilespmem:s14], [sflag:$0x1], $0x10, s21, s13, $0xb8;
	[tilespmem:$0x5FD0] =	vst v63  }
0x6c: {  	s30 =	sadd.s32 $0x100, s20  }
0x6d: {  	[spmem:s2] =	stream.indirect.scatter.add.f32 [tilespmem:s14], [sflag:$0x1], $0x10, s30, s13, $0xb8;
	[tilespmem:$0x5FD0] =	vst v63  }
0x6e: {  	s31 =	sadd.s32 $0x180, s20  }
0x6f: {  	[spmem:s2] =	stream.indirect.scatter.add.f32 [tilespmem:s14], [sflag:$0x1], $0x10, s31, s13, $0xb8;
	[tilespmem:$0x5FD0] =	vst v63  }
0x70: {  	s20 =	sadd.s32 $0x200, s20  }
0x71: {  	[spmem:s2] =	stream.indirect.scatter.add.f32 [tilespmem:s14], [sflag:$0x1], $0x10, s20, s13, $0xb8;
	[tilespmem:$0x5FD0] =	vst v63  }
0x72: {  	_ =	swait.ge [sflag:s12], $0x7D0  }
0x73: {  	[sflag:s12] =	ssyncset.done $0x0  }
0x74: {  	[sflag:s12] =	ssyncadd.s32 $0xFFFFF830  }
0x75: {  	_ =	swait.ge [sflag:s12], $0x7D0  }
0x76: {  	[sflag:s12] =	ssyncset.done $0x0  }
0x77: {  	[sflag:s12] =	ssyncadd.s32 $0xFFFFF830  }
0x78: {  	_ =	swait.ge [sflag:s12], $0x7D0  }
0x79: {  	[sflag:s12] =	ssyncset.done $0x0  }
0x7a: {  	[sflag:s12] =	ssyncadd.s32 $0xFFFFF830  }
0x7b: {  	_ =	swait.ge [sflag:s12], $0x7D0  }
0x7c: {  	[sflag:s12] =	ssyncset.done $0x0  }
0x7d: {  	[sflag:s12] =	ssyncadd.s32 $0xFFFFF830  }
0x7e: {  	_ =	swait.ge [sflag:s12], $0x7D0  }
0x7f: {  	s19 =	sadd.s32 $0x1, s19;
	[sflag:s12] =	ssyncset.done $0x0  }
0x80: {  	p0 =	sne.s32 s19, s10;
	[sflag:s12] =	ssyncadd.s32 $0xFFFFF830  }
.Ltmp3:
0x81: {  	[bflag:$0x0] =	sbarrier.arrive $0xFFFF;
	(pc) =	sbr.rel @p0 .LBB2_1-.Ltmp3, $4  }
0x82: {  	[hbm:s15], [sflag:s16] =	dma.local [spmem:s17], $0x500  }
0x83: {  	_ =	swait.ge [sflag:s18], $0x500  }
0x84: {  	[sflag:s18] =	ssyncset.done $0x0  }
0x85: {  	[sflag:s18] =	ssyncadd.s32 $0xFFFFFB00  }
0x86: {  	_ =	sfence.sel $0x180000  }
0x87: {  	[bflag:$0x0] =	sbarrier.arrive $0xFFFF  }
0x88: {  	p0 =	sne.s32 s0, $0x0;
	_ =	strace $0x90000047  }
0x89: {  	s0 =	sadd.s32 @!p0 $0x100000, s1;
	[bflag:$0x2] =	sbarrier.arrive $0xFFFF  }
0x8a: {  	[sflag:s0] =	ssyncadd.tile.s32 @!p0 $0x1;
	_ =	shalt  }
.Lfunc_end2:
_tile_overlayer_lowered:
.L_overlay_start_2:
0x8b: {  	(tag) =	ssettag $0x2  }
0x8c: {  	s0 =	rddreg [dreg:$0x0];
	s2 =	stileid.u32  }
0x8d: {  	s1 =	rddreg [dreg:$0x1];
	p0 =	sne.s32 s2, $0x0  }
0x8e: {  	s3 =	rddreg [dreg:$0x2];
	[bflag:$0x3] =	sbarrier.arrive $0xFFFF;
	s2 =	simm.s32 @!p0 $0x1C02  }
0x8f: {  	[timem:s3], [sflag:s2] =	dma.local @!p0 [hbm:s0], s1  }
0x90: {  	s0 =	simm.s32 @!p0 $0x2  }
0x91: {  	_ =	swait.ge @!p0 [sflag:s0], s1  }
0x92: {  	s1 =	ssub.s32 @!p0 $0x0, s1;
	[sflag:s0] =	ssyncset.done @!p0 $0x0  }
0x93: {  	[sflag:s0] =	ssyncadd.s32 @!p0 s1  }
0x94: {  	[bflag:$0x3] =	sbarrier.arrive $0xFFFF  }
0x95: {  	_ =	shalt  }

</sc_bundles>
